<compile_context>
chip_gen: v7x
topology: tpu7x:2x2x1
jax: 0.10.2.dev20260603
libtpu: 0.0.44.dev20260713+nightly
codegen_flags: <defaults>
</compile_context>

<pallas_src>
import functools

import jax
import jax.numpy as jnp
from jax.experimental import pallas as pl
from jax.experimental.pallas import tpu as pltpu

_B, _C, _H, _W = 8, 96, 224, 224
_MLIM = 10000


def _body(h_ref, u_ref, probs_ref, states_ref):
    _, C, R, W = h_ref.shape
    x = h_ref[0].reshape(C * R, W)
    u = u_ref[0].reshape(C * R, W)

    row = jax.lax.broadcasted_iota(jnp.int32, (C * R, W), 0)
    col = jax.lax.broadcasted_iota(jnp.int32, (C * R, W), 1)
    r_even = (row % 2) == 0
    c_even = (col % 2) == 0

    def partner_row(a):
        return jnp.where(r_even, jnp.roll(a, -1, axis=0), jnp.roll(a, 1, axis=0))

    def partner_col(a):
        return jnp.where(c_even, jnp.roll(a, -1, axis=1), jnp.roll(a, 1, axis=1))

    rmax = jnp.maximum(x, partner_row(x))
    bmax = jnp.maximum(rmax, partner_col(rmax))

    hexp = jnp.exp(x - bmax)
    hmh = jnp.exp(-bmax)

    e_r0 = jnp.where(r_even, hexp, partner_row(hexp))
    e_r1 = jnp.where(r_even, partner_row(hexp), hexp)
    e00 = jnp.where(c_even, e_r0, partner_col(e_r0))
    e01 = jnp.where(c_even, partner_col(e_r0), e_r0)
    e10 = jnp.where(c_even, e_r1, partner_col(e_r1))
    e11 = jnp.where(c_even, partner_col(e_r1), e_r1)
    bsum = ((e00 + e01) + e10) + e11

    bsum3 = bsum.reshape(C, R, W)
    acc = bsum3[0]
    for c in range(1, C):
        acc = acc + bsum3[c]
    denom = hmh + jnp.broadcast_to(acc[None, :, :], (C, R, W)).reshape(C * R, W)

    p = hexp / denom
    probs_ref[0] = p.reshape(C, R, W)

    q_r0 = jnp.where(r_even, p, partner_row(p))
    q_r1 = jnp.where(r_even, partner_row(p), p)
    q00 = jnp.where(c_even, q_r0, partner_col(q_r0))
    q01 = jnp.where(c_even, partner_col(q_r0), q_r0)
    q10 = jnp.where(c_even, q_r1, partner_col(q_r1))
    q11 = jnp.where(c_even, partner_col(q_r1), q_r1)

    cum0 = q00
    cum1 = cum0 + q01
    cum2 = cum1 + q10
    cum3 = cum2 + q11
    cum4 = cum3 + (jnp.float32(1.0) - cum3)

    cum_self = jnp.where(
        r_even,
        jnp.where(c_even, cum0, cum1),
        jnp.where(c_even, cum2, cum3),
    )
    cum_prev = jnp.where(
        r_even,
        jnp.where(c_even, jnp.zeros_like(cum0), cum0),
        jnp.where(c_even, cum1, cum2),
    )

    one = jnp.float32(1.0)
    zero = jnp.float32(0.0)
    fallback = cum4 < u
    is_k0 = jnp.logical_and(r_even, c_even)
    st_k0 = jnp.where(jnp.logical_or(cum0 >= u, fallback), one, zero)
    st_rest = jnp.where(jnp.logical_and(cum_self >= u, cum_prev < u), one, zero)
    states_ref[0] = jnp.where(is_k0, st_k0, st_rest).reshape(C, R, W)


def _pooled_choice():
    key = jax.random.key(42)
    nr, nc = _H // 2, _W // 2
    c = jax.random.randint(key, (_B, _C, nr, nc, 1), 0, _MLIM + 1)
    c = c.astype(jnp.float32) * (1.0 / _MLIM)
    c = c.reshape(_B, _C, nr, nc)
    return jnp.repeat(jnp.repeat(c, 2, axis=2), 2, axis=3)


@jax.jit
def kernel(H):
    u = _pooled_choice()
    rt = 16
    grid = (_B, _H // rt)
    spec = pl.BlockSpec((1, _C, rt, _W), lambda b, i: (b, 0, i, 0))
    out_shape = jax.ShapeDtypeStruct((_B, _C, _H, _W), jnp.float32)
    probs, states = pl.pallas_call(
        _body,
        grid=grid,
        in_specs=[spec, spec],
        out_specs=[spec, spec],
        out_shape=[out_shape, out_shape],
    )(H, u)
    return (probs, states)

# --- scband reference (transcript-rebuilt; emitter-appended) ---
"""Pipeline reference for scband-prob-max-pool-87917980549283 (READ-ONLY COPY).

The authoritative reference and input builder live on the scoring server;
editing this copy changes nothing except your own understanding.
"""

import jax, jax.numpy as jnp
import numpy as np

MP = 2


def setup_inputs(seed: int = 0) -> dict:
    key = jax.random.key(seed)
    H = jax.random.normal(key, (8, 96, 224, 224), dtype=jnp.float32)
    return {"H": H}


def _expand(x, mp):
    # MatrixExpander: repeat each pooled element over an mp x mp block
    return jnp.repeat(jnp.repeat(x, mp, axis=2), mp, axis=3)


def _forward_probs(H, mp):
    # max pool mp x mp, stride mp
    H_max = jax.lax.reduce_window(H, -jnp.inf, jax.lax.max, (1, 1, mp, mp), (1, 1, mp, mp), 'VALID')
    H_mp_ex = _expand(H_max, mp)
    Hc = H - H_mp_ex
    H_m_hmax = jnp.exp(-1.0 * H_mp_ex)
    H_exp = jnp.exp(Hc)
    # pooler: conv2d with all-ones weight (C, C, mp, mp) stride mp ->
    # every output channel = sum over ALL input channels and the mp x mp block
    block_sum = jax.lax.reduce_window(H_exp, 0.0, jax.lax.add, (1, 1, mp, mp), (1, 1, mp, mp), 'VALID')
    H_pooled = jnp.sum(block_sum, axis=1, keepdims=True)
    H_pooled = jnp.broadcast_to(H_pooled, block_sum.shape)
    H_pooled_ex = _expand(H_pooled, mp)
    H_probs = H_exp / (H_m_hmax + H_pooled_ex)
    return H_probs


def _get_states(probs, mp, key):
    # vectorized version of the per-block sampling loop in get_states
    mlim = 10000
    B, C, R, Cc = probs.shape
    nr, nc = R // mp, Cc // mp
    blocks = probs.reshape(B, C, nr, mp, nc, mp).transpose(0, 1, 2, 4, 3, 5).reshape(B, C, nr, nc, mp * mp)
    blocks = jnp.concatenate([blocks, 1.0 - jnp.sum(blocks, axis=-1, keepdims=True)], axis=-1)
    cum = jnp.cumsum(blocks, axis=-1)
    choice = jax.random.randint(key, (B, C, nr, nc, 1), 0, mlim + 1).astype(jnp.float32) * (1.0 / mlim)
    diff = cum - choice
    diff = jnp.where(diff < 0, 5.0, diff)
    active = jnp.argmin(diff, axis=-1)
    onehot = jax.nn.one_hot(active, mp * mp + 1, dtype=probs.dtype)
    states = onehot[..., : mp * mp].reshape(B, C, nr, nc, mp, mp).transpose(0, 1, 2, 4, 3, 5).reshape(B, C, R, Cc)
    return states


def reference(H):
    H_probs = _forward_probs(H, MP)
    H_states = _get_states(H_probs, MP, jax.random.key(42))
    return (H_probs, H_states)

if __name__ == "__main__":
    import jax
    _d = setup_inputs()
    print(jax.jit(kernel)(*tuple(_d.values())))

</pallas_src>

<mosaic_0001>
module attributes {stable_mosaic.version = 14 : i64} {
  func.func @_body(%arg0: i32, %arg1: i32, %arg2: memref<1x96x16x224xf32, #tpu.memory_space<vmem>>, %arg3: memref<1x96x16x224xf32, #tpu.memory_space<vmem>>, %arg4: memref<1x96x16x224xf32, #tpu.memory_space<vmem>>, %arg5: memref<1x96x16x224xf32, #tpu.memory_space<vmem>>) attributes {dimension_semantics = [#tpu.dimension_semantics<arbitrary>, #tpu.dimension_semantics<arbitrary>], iteration_bounds = array<i64: 8, 14>, scalar_prefetch = 0 : i64, scratch_operands = 0 : i64, tpu.core_type = #tpu.core_type<tc>, window_params = [{transform_indices = @transform_0, window_bounds = array<i64: 1, 96, 16, 224>}, {transform_indices = @transform_1, window_bounds = array<i64: 1, 96, 16, 224>}, {transform_indices = @transform_2, window_bounds = array<i64: 1, 96, 16, 224>}, {transform_indices = @transform_3, window_bounds = array<i64: 1, 96, 16, 224>}]} {
    %get3A = arith.constant 0 : index
    %get3A_0 = arith.constant 0 : index
    %get3A_1 = arith.constant 0 : index
    %get3A_2 = arith.constant 0 : index
    %get3A_3 = vector.load %arg2[%get3A, %get3A_0, %get3A_1, %get3A_2] : memref<1x96x16x224xf32, #tpu.memory_space<vmem>>, vector<1x96x16x224xf32>
    %get3A_4 = vector.shape_cast %get3A_3 : vector<1x96x16x224xf32> to vector<96x16x224xf32>
    %reshape3A = vector.shape_cast %get3A_4 : vector<96x16x224xf32> to vector<1536x224xf32>
    %get3A_5 = arith.constant 0 : index
    %get3A_6 = arith.constant 0 : index
    %get3A_7 = arith.constant 0 : index
    %get3A_8 = arith.constant 0 : index
    %get3A_9 = vector.load %arg3[%get3A_5, %get3A_6, %get3A_7, %get3A_8] : memref<1x96x16x224xf32, #tpu.memory_space<vmem>>, vector<1x96x16x224xf32>
    %get3A_10 = vector.shape_cast %get3A_9 : vector<1x96x16x224xf32> to vector<96x16x224xf32>
    %reshape3A_11 = vector.shape_cast %get3A_10 : vector<96x16x224xf32> to vector<1536x224xf32>
    %iota3A = tpu.iota {dimensions = array<i32: 0>} : vector<1536x224xi32>
    %iota3A_12 = tpu.iota {dimensions = array<i32: 1>} : vector<1536x224xi32>
    %jit3A = arith.constant 2 : i32
    %eq3A = arith.constant 0 : i32
    %eq3A_13 = arith.cmpi eq, %jit3A, %eq3A : i32
    %jit3A_14 = arith.constant 1 : i32
    %select_n3A = arith.select %eq3A_13, %jit3A_14, %jit3A : i32
    %rem3A = vector.broadcast %select_n3A : i32 to vector<1536x224xi32>
    %rem3A_15 = arith.remsi %iota3A, %rem3A : vector<1536x224xi32>
    %ne3A = arith.constant 0 : i32
    %ne3A_16 = vector.broadcast %ne3A : i32 to vector<1536x224xi32>
    %ne3A_17 = arith.cmpi ne, %rem3A_15, %ne3A_16 : vector<1536x224xi32>
    %lt3A = arith.constant 0 : i32
    %lt3A_18 = vector.broadcast %lt3A : i32 to vector<1536x224xi32>
    %lt3A_19 = arith.cmpi slt, %rem3A_15, %lt3A_18 : vector<1536x224xi32>
    %lt3A_20 = arith.constant 0 : i32
    %lt3A_21 = arith.cmpi slt, %select_n3A, %lt3A_20 : i32
    %ne3A_22 = vector.broadcast %lt3A_21 : i1 to vector<1536x224xi1>
    %ne3A_23 = vector.broadcast %ne3A_22 : vector<1536x224xi1> to vector<1536x224xi1>
    %ne3A_24 = arith.xori %lt3A_19, %ne3A_23 : vector<1536x224xi1>
    %and3A = arith.andi %ne3A_24, %ne3A_17 : vector<1536x224xi1>
    %add3A = vector.broadcast %select_n3A : i32 to vector<1536x224xi32>
    %add3A_25 = arith.addi %rem3A_15, %add3A : vector<1536x224xi32>
    %select_n3A_26 = arith.select %and3A, %add3A_25, %rem3A_15 : vector<1536x224xi1>, vector<1536x224xi32>
    %eq3A_27 = arith.constant 0 : i32
    %eq3A_28 = vector.broadcast %eq3A_27 : i32 to vector<1536x224xi32>
    %eq3A_29 = arith.cmpi eq, %select_n3A_26, %eq3A_28 : vector<1536x224xi32>
    %jit3A_30 = arith.constant 2 : i32
    %eq3A_31 = arith.constant 0 : i32
    %eq3A_32 = arith.cmpi eq, %jit3A_30, %eq3A_31 : i32
    %jit3A_33 = arith.constant 1 : i32
    %select_n3A_34 = arith.select %eq3A_32, %jit3A_33, %jit3A_30 : i32
    %rem3A_35 = vector.broadcast %select_n3A_34 : i32 to vector<1536x224xi32>
    %rem3A_36 = arith.remsi %iota3A_12, %rem3A_35 : vector<1536x224xi32>
    %ne3A_37 = arith.constant 0 : i32
    %ne3A_38 = vector.broadcast %ne3A_37 : i32 to vector<1536x224xi32>
    %ne3A_39 = arith.cmpi ne, %rem3A_36, %ne3A_38 : vector<1536x224xi32>
    %lt3A_40 = arith.constant 0 : i32
    %lt3A_41 = vector.broadcast %lt3A_40 : i32 to vector<1536x224xi32>
    %lt3A_42 = arith.cmpi slt, %rem3A_36, %lt3A_41 : vector<1536x224xi32>
    %lt3A_43 = arith.constant 0 : i32
    %lt3A_44 = arith.cmpi slt, %select_n3A_34, %lt3A_43 : i32
    %ne3A_45 = vector.broadcast %lt3A_44 : i1 to vector<1536x224xi1>
    %ne3A_46 = vector.broadcast %ne3A_45 : vector<1536x224xi1> to vector<1536x224xi1>
    %ne3A_47 = arith.xori %lt3A_42, %ne3A_46 : vector<1536x224xi1>
    %and3A_48 = arith.andi %ne3A_47, %ne3A_39 : vector<1536x224xi1>
    %add3A_49 = vector.broadcast %select_n3A_34 : i32 to vector<1536x224xi32>
    %add3A_50 = arith.addi %rem3A_36, %add3A_49 : vector<1536x224xi32>
    %select_n3A_51 = arith.select %and3A_48, %add3A_50, %rem3A_36 : vector<1536x224xi1>, vector<1536x224xi32>
    %eq3A_52 = arith.constant 0 : i32
    %eq3A_53 = vector.broadcast %eq3A_52 : i32 to vector<1536x224xi32>
    %eq3A_54 = arith.cmpi eq, %select_n3A_51, %eq3A_53 : vector<1536x224xi32>
    %slice3A = vector.extract_strided_slice %reshape3A {offsets = [1, 0], sizes = [1535, 224], strides = [1, 1]} : vector<1536x224xf32> to vector<1535x224xf32>
    %slice3A_55 = vector.extract_strided_slice %reshape3A {offsets = [0, 0], sizes = [1, 224], strides = [1, 1]} : vector<1536x224xf32> to vector<1x224xf32>
    %concatenate3A = tpu.concatenate %slice3A, %slice3A_55 in 0 : vector<1535x224xf32>, vector<1x224xf32> -> vector<1536x224xf32>
    %slice3A_56 = vector.extract_strided_slice %reshape3A {offsets = [1535, 0], sizes = [1, 224], strides = [1, 1]} : vector<1536x224xf32> to vector<1x224xf32>
    %slice3A_57 = vector.extract_strided_slice %reshape3A {offsets = [0, 0], sizes = [1535, 224], strides = [1, 1]} : vector<1536x224xf32> to vector<1535x224xf32>
    %concatenate3A_58 = tpu.concatenate %slice3A_56, %slice3A_57 in 0 : vector<1x224xf32>, vector<1535x224xf32> -> vector<1536x224xf32>
    %select_n3A_59 = arith.select %eq3A_29, %concatenate3A, %concatenate3A_58 : vector<1536x224xi1>, vector<1536x224xf32>
    %max3A = arith.maximumf %reshape3A, %select_n3A_59 : vector<1536x224xf32>
    %slice3A_60 = vector.extract_strided_slice %max3A {offsets = [0, 1], sizes = [1536, 223], strides = [1, 1]} : vector<1536x224xf32> to vector<1536x223xf32>
    %slice3A_61 = vector.extract_strided_slice %max3A {offsets = [0, 0], sizes = [1536, 1], strides = [1, 1]} : vector<1536x224xf32> to vector<1536x1xf32>
    %concatenate3A_62 = tpu.concatenate %slice3A_60, %slice3A_61 in 1 : vector<1536x223xf32>, vector<1536x1xf32> -> vector<1536x224xf32>
    %slice3A_63 = vector.extract_strided_slice %max3A {offsets = [0, 223], sizes = [1536, 1], strides = [1, 1]} : vector<1536x224xf32> to vector<1536x1xf32>
    %slice3A_64 = vector.extract_strided_slice %max3A {offsets = [0, 0], sizes = [1536, 223], strides = [1, 1]} : vector<1536x224xf32> to vector<1536x223xf32>
    %concatenate3A_65 = tpu.concatenate %slice3A_63, %slice3A_64 in 1 : vector<1536x1xf32>, vector<1536x223xf32> -> vector<1536x224xf32>
    %select_n3A_66 = arith.select %eq3A_54, %concatenate3A_62, %concatenate3A_65 : vector<1536x224xi1>, vector<1536x224xf32>
    %max3A_67 = arith.maximumf %max3A, %select_n3A_66 : vector<1536x224xf32>
    %sub3A = arith.subf %reshape3A, %max3A_67 : vector<1536x224xf32>
    %exp3A = math.exp %sub3A : vector<1536x224xf32>
    %neg3A = arith.constant 0.000000e+00 : f32
    %neg3A_68 = vector.broadcast %neg3A : f32 to vector<1536x224xf32>
    %neg3A_69 = arith.subf %neg3A_68, %max3A_67 : vector<1536x224xf32>
    %exp3A_70 = math.exp %neg3A_69 : vector<1536x224xf32>
    %slice3A_71 = vector.extract_strided_slice %exp3A {offsets = [1, 0], sizes = [1535, 224], strides = [1, 1]} : vector<1536x224xf32> to vector<1535x224xf32>
    %slice3A_72 = vector.extract_strided_slice %exp3A {offsets = [0, 0], sizes = [1, 224], strides = [1, 1]} : vector<1536x224xf32> to vector<1x224xf32>
    %concatenate3A_73 = tpu.concatenate %slice3A_71, %slice3A_72 in 0 : vector<1535x224xf32>, vector<1x224xf32> -> vector<1536x224xf32>
    %slice3A_74 = vector.extract_strided_slice %exp3A {offsets = [1535, 0], sizes = [1, 224], strides = [1, 1]} : vector<1536x224xf32> to vector<1x224xf32>
    %slice3A_75 = vector.extract_strided_slice %exp3A {offsets = [0, 0], sizes = [1535, 224], strides = [1, 1]} : vector<1536x224xf32> to vector<1535x224xf32>
    %concatenate3A_76 = tpu.concatenate %slice3A_74, %slice3A_75 in 0 : vector<1x224xf32>, vector<1535x224xf32> -> vector<1536x224xf32>
    %select_n3A_77 = arith.select %eq3A_29, %concatenate3A_73, %concatenate3A_76 : vector<1536x224xi1>, vector<1536x224xf32>
    %select_n3A_78 = arith.select %eq3A_29, %exp3A, %select_n3A_77 : vector<1536x224xi1>, vector<1536x224xf32>
    %slice3A_79 = vector.extract_strided_slice %exp3A {offsets = [1, 0], sizes = [1535, 224], strides = [1, 1]} : vector<1536x224xf32> to vector<1535x224xf32>
    %slice3A_80 = vector.extract_strided_slice %exp3A {offsets = [0, 0], sizes = [1, 224], strides = [1, 1]} : vector<1536x224xf32> to vector<1x224xf32>
    %concatenate3A_81 = tpu.concatenate %slice3A_79, %slice3A_80 in 0 : vector<1535x224xf32>, vector<1x224xf32> -> vector<1536x224xf32>
    %slice3A_82 = vector.extract_strided_slice %exp3A {offsets = [1535, 0], sizes = [1, 224], strides = [1, 1]} : vector<1536x224xf32> to vector<1x224xf32>
    %slice3A_83 = vector.extract_strided_slice %exp3A {offsets = [0, 0], sizes = [1535, 224], strides = [1, 1]} : vector<1536x224xf32> to vector<1535x224xf32>
    %concatenate3A_84 = tpu.concatenate %slice3A_82, %slice3A_83 in 0 : vector<1x224xf32>, vector<1535x224xf32> -> vector<1536x224xf32>
    %select_n3A_85 = arith.select %eq3A_29, %concatenate3A_81, %concatenate3A_84 : vector<1536x224xi1>, vector<1536x224xf32>
    %select_n3A_86 = arith.select %eq3A_29, %select_n3A_85, %exp3A : vector<1536x224xi1>, vector<1536x224xf32>
    %slice3A_87 = vector.extract_strided_slice %select_n3A_78 {offsets = [0, 1], sizes = [1536, 223], strides = [1, 1]} : vector<1536x224xf32> to vector<1536x223xf32>
    %slice3A_88 = vector.extract_strided_slice %select_n3A_78 {offsets = [0, 0], sizes = [1536, 1], strides = [1, 1]} : vector<1536x224xf32> to vector<1536x1xf32>
    %concatenate3A_89 = tpu.concatenate %slice3A_87, %slice3A_88 in 1 : vector<1536x223xf32>, vector<1536x1xf32> -> vector<1536x224xf32>
    %slice3A_90 = vector.extract_strided_slice %select_n3A_78 {offsets = [0, 223], sizes = [1536, 1], strides = [1, 1]} : vector<1536x224xf32> to vector<1536x1xf32>
    %slice3A_91 = vector.extract_strided_slice %select_n3A_78 {offsets = [0, 0], sizes = [1536, 223], strides = [1, 1]} : vector<1536x224xf32> to vector<1536x223xf32>
    %concatenate3A_92 = tpu.concatenate %slice3A_90, %slice3A_91 in 1 : vector<1536x1xf32>, vector<1536x223xf32> -> vector<1536x224xf32>
    %select_n3A_93 = arith.select %eq3A_54, %concatenate3A_89, %concatenate3A_92 : vector<1536x224xi1>, vector<1536x224xf32>
    %select_n3A_94 = arith.select %eq3A_54, %select_n3A_78, %select_n3A_93 : vector<1536x224xi1>, vector<1536x224xf32>
    %slice3A_95 = vector.extract_strided_slice %select_n3A_78 {offsets = [0, 1], sizes = [1536, 223], strides = [1, 1]} : vector<1536x224xf32> to vector<1536x223xf32>
    %slice3A_96 = vector.extract_strided_slice %select_n3A_78 {offsets = [0, 0], sizes = [1536, 1], strides = [1, 1]} : vector<1536x224xf32> to vector<1536x1xf32>
    %concatenate3A_97 = tpu.concatenate %slice3A_95, %slice3A_96 in 1 : vector<1536x223xf32>, vector<1536x1xf32> -> vector<1536x224xf32>
    %slice3A_98 = vector.extract_strided_slice %select_n3A_78 {offsets = [0, 223], sizes = [1536, 1], strides = [1, 1]} : vector<1536x224xf32> to vector<1536x1xf32>
    %slice3A_99 = vector.extract_strided_slice %select_n3A_78 {offsets = [0, 0], sizes = [1536, 223], strides = [1, 1]} : vector<1536x224xf32> to vector<1536x223xf32>
    %concatenate3A_100 = tpu.concatenate %slice3A_98, %slice3A_99 in 1 : vector<1536x1xf32>, vector<1536x223xf32> -> vector<1536x224xf32>
    %select_n3A_101 = arith.select %eq3A_54, %concatenate3A_97, %concatenate3A_100 : vector<1536x224xi1>, vector<1536x224xf32>
    %select_n3A_102 = arith.select %eq3A_54, %select_n3A_101, %select_n3A_78 : vector<1536x224xi1>, vector<1536x224xf32>
    %slice3A_103 = vector.extract_strided_slice %select_n3A_86 {offsets = [0, 1], sizes = [1536, 223], strides = [1, 1]} : vector<1536x224xf32> to vector<1536x223xf32>
    %slice3A_104 = vector.extract_strided_slice %select_n3A_86 {offsets = [0, 0], sizes = [1536, 1], strides = [1, 1]} : vector<1536x224xf32> to vector<1536x1xf32>
    %concatenate3A_105 = tpu.concatenate %slice3A_103, %slice3A_104 in 1 : vector<1536x223xf32>, vector<1536x1xf32> -> vector<1536x224xf32>
    %slice3A_106 = vector.extract_strided_slice %select_n3A_86 {offsets = [0, 223], sizes = [1536, 1], strides = [1, 1]} : vector<1536x224xf32> to vector<1536x1xf32>
    %slice3A_107 = vector.extract_strided_slice %select_n3A_86 {offsets = [0, 0], sizes = [1536, 223], strides = [1, 1]} : vector<1536x224xf32> to vector<1536x223xf32>
    %concatenate3A_108 = tpu.concatenate %slice3A_106, %slice3A_107 in 1 : vector<1536x1xf32>, vector<1536x223xf32> -> vector<1536x224xf32>
    %select_n3A_109 = arith.select %eq3A_54, %concatenate3A_105, %concatenate3A_108 : vector<1536x224xi1>, vector<1536x224xf32>
    %select_n3A_110 = arith.select %eq3A_54, %select_n3A_86, %select_n3A_109 : vector<1536x224xi1>, vector<1536x224xf32>
    %slice3A_111 = vector.extract_strided_slice %select_n3A_86 {offsets = [0, 1], sizes = [1536, 223], strides = [1, 1]} : vector<1536x224xf32> to vector<1536x223xf32>
    %slice3A_112 = vector.extract_strided_slice %select_n3A_86 {offsets = [0, 0], sizes = [1536, 1], strides = [1, 1]} : vector<1536x224xf32> to vector<1536x1xf32>
    %concatenate3A_113 = tpu.concatenate %slice3A_111, %slice3A_112 in 1 : vector<1536x223xf32>, vector<1536x1xf32> -> vector<1536x224xf32>
    %slice3A_114 = vector.extract_strided_slice %select_n3A_86 {offsets = [0, 223], sizes = [1536, 1], strides = [1, 1]} : vector<1536x224xf32> to vector<1536x1xf32>
    %slice3A_115 = vector.extract_strided_slice %select_n3A_86 {offsets = [0, 0], sizes = [1536, 223], strides = [1, 1]} : vector<1536x224xf32> to vector<1536x223xf32>
    %concatenate3A_116 = tpu.concatenate %slice3A_114, %slice3A_115 in 1 : vector<1536x1xf32>, vector<1536x223xf32> -> vector<1536x224xf32>
    %select_n3A_117 = arith.select %eq3A_54, %concatenate3A_113, %concatenate3A_116 : vector<1536x224xi1>, vector<1536x224xf32>
    %select_n3A_118 = arith.select %eq3A_54, %select_n3A_117, %select_n3A_86 : vector<1536x224xi1>, vector<1536x224xf32>
    %add3A_119 = arith.addf %select_n3A_94, %select_n3A_102 : vector<1536x224xf32>
    %add3A_120 = arith.addf %add3A_119, %select_n3A_110 : vector<1536x224xf32>
    %add3A_121 = arith.addf %add3A_120, %select_n3A_118 : vector<1536x224xf32>
    %reshape3A_122 = vector.shape_cast %add3A_121 : vector<1536x224xf32> to vector<96x16x224xf32>
    %slice3A_123 = vector.extract_strided_slice %reshape3A_122 {offsets = [0, 0, 0], sizes = [1, 16, 224], strides = [1, 1, 1]} : vector<96x16x224xf32> to vector<1x16x224xf32>
    %squeeze3A = vector.shape_cast %slice3A_123 : vector<1x16x224xf32> to vector<16x224xf32>
    %slice3A_124 = vector.extract_strided_slice %reshape3A_122 {offsets = [1, 0, 0], sizes = [1, 16, 224], strides = [1, 1, 1]} : vector<96x16x224xf32> to vector<1x16x224xf32>
    %squeeze3A_125 = vector.shape_cast %slice3A_124 : vector<1x16x224xf32> to vector<16x224xf32>
    %add3A_126 = arith.addf %squeeze3A, %squeeze3A_125 : vector<16x224xf32>
    %slice3A_127 = vector.extract_strided_slice %reshape3A_122 {offsets = [2, 0, 0], sizes = [1, 16, 224], strides = [1, 1, 1]} : vector<96x16x224xf32> to vector<1x16x224xf32>
    %squeeze3A_128 = vector.shape_cast %slice3A_127 : vector<1x16x224xf32> to vector<16x224xf32>
    %add3A_129 = arith.addf %add3A_126, %squeeze3A_128 : vector<16x224xf32>
    %slice3A_130 = vector.extract_strided_slice %reshape3A_122 {offsets = [3, 0, 0], sizes = [1, 16, 224], strides = [1, 1, 1]} : vector<96x16x224xf32> to vector<1x16x224xf32>
    %squeeze3A_131 = vector.shape_cast %slice3A_130 : vector<1x16x224xf32> to vector<16x224xf32>
    %add3A_132 = arith.addf %add3A_129, %squeeze3A_131 : vector<16x224xf32>
    %slice3A_133 = vector.extract_strided_slice %reshape3A_122 {offsets = [4, 0, 0], sizes = [1, 16, 224], strides = [1, 1, 1]} : vector<96x16x224xf32> to vector<1x16x224xf32>
    %squeeze3A_134 = vector.shape_cast %slice3A_133 : vector<1x16x224xf32> to vector<16x224xf32>
    %add3A_135 = arith.addf %add3A_132, %squeeze3A_134 : vector<16x224xf32>
    %slice3A_136 = vector.extract_strided_slice %reshape3A_122 {offsets = [5, 0, 0], sizes = [1, 16, 224], strides = [1, 1, 1]} : vector<96x16x224xf32> to vector<1x16x224xf32>
    %squeeze3A_137 = vector.shape_cast %slice3A_136 : vector<1x16x224xf32> to vector<16x224xf32>
    %add3A_138 = arith.addf %add3A_135, %squeeze3A_137 : vector<16x224xf32>
    %slice3A_139 = vector.extract_strided_slice %reshape3A_122 {offsets = [6, 0, 0], sizes = [1, 16, 224], strides = [1, 1, 1]} : vector<96x16x224xf32> to vector<1x16x224xf32>
    %squeeze3A_140 = vector.shape_cast %slice3A_139 : vector<1x16x224xf32> to vector<16x224xf32>
    %add3A_141 = arith.addf %add3A_138, %squeeze3A_140 : vector<16x224xf32>
    %slice3A_142 = vector.extract_strided_slice %reshape3A_122 {offsets = [7, 0, 0], sizes = [1, 16, 224], strides = [1, 1, 1]} : vector<96x16x224xf32> to vector<1x16x224xf32>
    %squeeze3A_143 = vector.shape_cast %slice3A_142 : vector<1x16x224xf32> to vector<16x224xf32>
    %add3A_144 = arith.addf %add3A_141, %squeeze3A_143 : vector<16x224xf32>
    %slice3A_145 = vector.extract_strided_slice %reshape3A_122 {offsets = [8, 0, 0], sizes = [1, 16, 224], strides = [1, 1, 1]} : vector<96x16x224xf32> to vector<1x16x224xf32>
    %squeeze3A_146 = vector.shape_cast %slice3A_145 : vector<1x16x224xf32> to vector<16x224xf32>
    %add3A_147 = arith.addf %add3A_144, %squeeze3A_146 : vector<16x224xf32>
    %slice3A_148 = vector.extract_strided_slice %reshape3A_122 {offsets = [9, 0, 0], sizes = [1, 16, 224], strides = [1, 1, 1]} : vector<96x16x224xf32> to vector<1x16x224xf32>
    %squeeze3A_149 = vector.shape_cast %slice3A_148 : vector<1x16x224xf32> to vector<16x224xf32>
    %add3A_150 = arith.addf %add3A_147, %squeeze3A_149 : vector<16x224xf32>
    %slice3A_151 = vector.extract_strided_slice %reshape3A_122 {offsets = [10, 0, 0], sizes = [1, 16, 224], strides = [1, 1, 1]} : vector<96x16x224xf32> to vector<1x16x224xf32>
    %squeeze3A_152 = vector.shape_cast %slice3A_151 : vector<1x16x224xf32> to vector<16x224xf32>
    %add3A_153 = arith.addf %add3A_150, %squeeze3A_152 : vector<16x224xf32>
    %slice3A_154 = vector.extract_strided_slice %reshape3A_122 {offsets = [11, 0, 0], sizes = [1, 16, 224], strides = [1, 1, 1]} : vector<96x16x224xf32> to vector<1x16x224xf32>
    %squeeze3A_155 = vector.shape_cast %slice3A_154 : vector<1x16x224xf32> to vector<16x224xf32>
    %add3A_156 = arith.addf %add3A_153, %squeeze3A_155 : vector<16x224xf32>
    %slice3A_157 = vector.extract_strided_slice %reshape3A_122 {offsets = [12, 0, 0], sizes = [1, 16, 224], strides = [1, 1, 1]} : vector<96x16x224xf32> to vector<1x16x224xf32>
    %squeeze3A_158 = vector.shape_cast %slice3A_157 : vector<1x16x224xf32> to vector<16x224xf32>
    %add3A_159 = arith.addf %add3A_156, %squeeze3A_158 : vector<16x224xf32>
    %slice3A_160 = vector.extract_strided_slice %reshape3A_122 {offsets = [13, 0, 0], sizes = [1, 16, 224], strides = [1, 1, 1]} : vector<96x16x224xf32> to vector<1x16x224xf32>
    %squeeze3A_161 = vector.shape_cast %slice3A_160 : vector<1x16x224xf32> to vector<16x224xf32>
    %add3A_162 = arith.addf %add3A_159, %squeeze3A_161 : vector<16x224xf32>
    %slice3A_163 = vector.extract_strided_slice %reshape3A_122 {offsets = [14, 0, 0], sizes = [1, 16, 224], strides = [1, 1, 1]} : vector<96x16x224xf32> to vector<1x16x224xf32>
    %squeeze3A_164 = vector.shape_cast %slice3A_163 : vector<1x16x224xf32> to vector<16x224xf32>
    %add3A_165 = arith.addf %add3A_162, %squeeze3A_164 : vector<16x224xf32>
    %slice3A_166 = vector.extract_strided_slice %reshape3A_122 {offsets = [15, 0, 0], sizes = [1, 16, 224], strides = [1, 1, 1]} : vector<96x16x224xf32> to vector<1x16x224xf32>
    %squeeze3A_167 = vector.shape_cast %slice3A_166 : vector<1x16x224xf32> to vector<16x224xf32>
    %add3A_168 = arith.addf %add3A_165, %squeeze3A_167 : vector<16x224xf32>
    %slice3A_169 = vector.extract_strided_slice %reshape3A_122 {offsets = [16, 0, 0], sizes = [1, 16, 224], strides = [1, 1, 1]} : vector<96x16x224xf32> to vector<1x16x224xf32>
    %squeeze3A_170 = vector.shape_cast %slice3A_169 : vector<1x16x224xf32> to vector<16x224xf32>
    %add3A_171 = arith.addf %add3A_168, %squeeze3A_170 : vector<16x224xf32>
    %slice3A_172 = vector.extract_strided_slice %reshape3A_122 {offsets = [17, 0, 0], sizes = [1, 16, 224], strides = [1, 1, 1]} : vector<96x16x224xf32> to vector<1x16x224xf32>
    %squeeze3A_173 = vector.shape_cast %slice3A_172 : vector<1x16x224xf32> to vector<16x224xf32>
    %add3A_174 = arith.addf %add3A_171, %squeeze3A_173 : vector<16x224xf32>
    %slice3A_175 = vector.extract_strided_slice %reshape3A_122 {offsets = [18, 0, 0], sizes = [1, 16, 224], strides = [1, 1, 1]} : vector<96x16x224xf32> to vector<1x16x224xf32>
    %squeeze3A_176 = vector.shape_cast %slice3A_175 : vector<1x16x224xf32> to vector<16x224xf32>
    %add3A_177 = arith.addf %add3A_174, %squeeze3A_176 : vector<16x224xf32>
    %slice3A_178 = vector.extract_strided_slice %reshape3A_122 {offsets = [19, 0, 0], sizes = [1, 16, 224], strides = [1, 1, 1]} : vector<96x16x224xf32> to vector<1x16x224xf32>
    %squeeze3A_179 = vector.shape_cast %slice3A_178 : vector<1x16x224xf32> to vector<16x224xf32>
    %add3A_180 = arith.addf %add3A_177, %squeeze3A_179 : vector<16x224xf32>
    %slice3A_181 = vector.extract_strided_slice %reshape3A_122 {offsets = [20, 0, 0], sizes = [1, 16, 224], strides = [1, 1, 1]} : vector<96x16x224xf32> to vector<1x16x224xf32>
    %squeeze3A_182 = vector.shape_cast %slice3A_181 : vector<1x16x224xf32> to vector<16x224xf32>
    %add3A_183 = arith.addf %add3A_180, %squeeze3A_182 : vector<16x224xf32>
    %slice3A_184 = vector.extract_strided_slice %reshape3A_122 {offsets = [21, 0, 0], sizes = [1, 16, 224], strides = [1, 1, 1]} : vector<96x16x224xf32> to vector<1x16x224xf32>
    %squeeze3A_185 = vector.shape_cast %slice3A_184 : vector<1x16x224xf32> to vector<16x224xf32>
    %add3A_186 = arith.addf %add3A_183, %squeeze3A_185 : vector<16x224xf32>
    %slice3A_187 = vector.extract_strided_slice %reshape3A_122 {offsets = [22, 0, 0], sizes = [1, 16, 224], strides = [1, 1, 1]} : vector<96x16x224xf32> to vector<1x16x224xf32>
    %squeeze3A_188 = vector.shape_cast %slice3A_187 : vector<1x16x224xf32> to vector<16x224xf32>
    %add3A_189 = arith.addf %add3A_186, %squeeze3A_188 : vector<16x224xf32>
    %slice3A_190 = vector.extract_strided_slice %reshape3A_122 {offsets = [23, 0, 0], sizes = [1, 16, 224], strides = [1, 1, 1]} : vector<96x16x224xf32> to vector<1x16x224xf32>
    %squeeze3A_191 = vector.shape_cast %slice3A_190 : vector<1x16x224xf32> to vector<16x224xf32>
    %add3A_192 = arith.addf %add3A_189, %squeeze3A_191 : vector<16x224xf32>
    %slice3A_193 = vector.extract_strided_slice %reshape3A_122 {offsets = [24, 0, 0], sizes = [1, 16, 224], strides = [1, 1, 1]} : vector<96x16x224xf32> to vector<1x16x224xf32>
    %squeeze3A_194 = vector.shape_cast %slice3A_193 : vector<1x16x224xf32> to vector<16x224xf32>
    %add3A_195 = arith.addf %add3A_192, %squeeze3A_194 : vector<16x224xf32>
    %slice3A_196 = vector.extract_strided_slice %reshape3A_122 {offsets = [25, 0, 0], sizes = [1, 16, 224], strides = [1, 1, 1]} : vector<96x16x224xf32> to vector<1x16x224xf32>
    %squeeze3A_197 = vector.shape_cast %slice3A_196 : vector<1x16x224xf32> to vector<16x224xf32>
    %add3A_198 = arith.addf %add3A_195, %squeeze3A_197 : vector<16x224xf32>
    %slice3A_199 = vector.extract_strided_slice %reshape3A_122 {offsets = [26, 0, 0], sizes = [1, 16, 224], strides = [1, 1, 1]} : vector<96x16x224xf32> to vector<1x16x224xf32>
    %squeeze3A_200 = vector.shape_cast %slice3A_199 : vector<1x16x224xf32> to vector<16x224xf32>
    %add3A_201 = arith.addf %add3A_198, %squeeze3A_200 : vector<16x224xf32>
    %slice3A_202 = vector.extract_strided_slice %reshape3A_122 {offsets = [27, 0, 0], sizes = [1, 16, 224], strides = [1, 1, 1]} : vector<96x16x224xf32> to vector<1x16x224xf32>
    %squeeze3A_203 = vector.shape_cast %slice3A_202 : vector<1x16x224xf32> to vector<16x224xf32>
    %add3A_204 = arith.addf %add3A_201, %squeeze3A_203 : vector<16x224xf32>
    %slice3A_205 = vector.extract_strided_slice %reshape3A_122 {offsets = [28, 0, 0], sizes = [1, 16, 224], strides = [1, 1, 1]} : vector<96x16x224xf32> to vector<1x16x224xf32>
    %squeeze3A_206 = vector.shape_cast %slice3A_205 : vector<1x16x224xf32> to vector<16x224xf32>
    %add3A_207 = arith.addf %add3A_204, %squeeze3A_206 : vector<16x224xf32>
    %slice3A_208 = vector.extract_strided_slice %reshape3A_122 {offsets = [29, 0, 0], sizes = [1, 16, 224], strides = [1, 1, 1]} : vector<96x16x224xf32> to vector<1x16x224xf32>
    %squeeze3A_209 = vector.shape_cast %slice3A_208 : vector<1x16x224xf32> to vector<16x224xf32>
    %add3A_210 = arith.addf %add3A_207, %squeeze3A_209 : vector<16x224xf32>
    %slice3A_211 = vector.extract_strided_slice %reshape3A_122 {offsets = [30, 0, 0], sizes = [1, 16, 224], strides = [1, 1, 1]} : vector<96x16x224xf32> to vector<1x16x224xf32>
    %squeeze3A_212 = vector.shape_cast %slice3A_211 : vector<1x16x224xf32> to vector<16x224xf32>
    %add3A_213 = arith.addf %add3A_210, %squeeze3A_212 : vector<16x224xf32>
    %slice3A_214 = vector.extract_strided_slice %reshape3A_122 {offsets = [31, 0, 0], sizes = [1, 16, 224], strides = [1, 1, 1]} : vector<96x16x224xf32> to vector<1x16x224xf32>
    %squeeze3A_215 = vector.shape_cast %slice3A_214 : vector<1x16x224xf32> to vector<16x224xf32>
    %add3A_216 = arith.addf %add3A_213, %squeeze3A_215 : vector<16x224xf32>
    %slice3A_217 = vector.extract_strided_slice %reshape3A_122 {offsets = [32, 0, 0], sizes = [1, 16, 224], strides = [1, 1, 1]} : vector<96x16x224xf32> to vector<1x16x224xf32>
    %squeeze3A_218 = vector.shape_cast %slice3A_217 : vector<1x16x224xf32> to vector<16x224xf32>
    %add3A_219 = arith.addf %add3A_216, %squeeze3A_218 : vector<16x224xf32>
    %slice3A_220 = vector.extract_strided_slice %reshape3A_122 {offsets = [33, 0, 0], sizes = [1, 16, 224], strides = [1, 1, 1]} : vector<96x16x224xf32> to vector<1x16x224xf32>
    %squeeze3A_221 = vector.shape_cast %slice3A_220 : vector<1x16x224xf32> to vector<16x224xf32>
    %add3A_222 = arith.addf %add3A_219, %squeeze3A_221 : vector<16x224xf32>
    %slice3A_223 = vector.extract_strided_slice %reshape3A_122 {offsets = [34, 0, 0], sizes = [1, 16, 224], strides = [1, 1, 1]} : vector<96x16x224xf32> to vector<1x16x224xf32>
    %squeeze3A_224 = vector.shape_cast %slice3A_223 : vector<1x16x224xf32> to vector<16x224xf32>
    %add3A_225 = arith.addf %add3A_222, %squeeze3A_224 : vector<16x224xf32>
    %slice3A_226 = vector.extract_strided_slice %reshape3A_122 {offsets = [35, 0, 0], sizes = [1, 16, 224], strides = [1, 1, 1]} : vector<96x16x224xf32> to vector<1x16x224xf32>
    %squeeze3A_227 = vector.shape_cast %slice3A_226 : vector<1x16x224xf32> to vector<16x224xf32>
    %add3A_228 = arith.addf %add3A_225, %squeeze3A_227 : vector<16x224xf32>
    %slice3A_229 = vector.extract_strided_slice %reshape3A_122 {offsets = [36, 0, 0], sizes = [1, 16, 224], strides = [1, 1, 1]} : vector<96x16x224xf32> to vector<1x16x224xf32>
    %squeeze3A_230 = vector.shape_cast %slice3A_229 : vector<1x16x224xf32> to vector<16x224xf32>
    %add3A_231 = arith.addf %add3A_228, %squeeze3A_230 : vector<16x224xf32>
    %slice3A_232 = vector.extract_strided_slice %reshape3A_122 {offsets = [37, 0, 0], sizes = [1, 16, 224], strides = [1, 1, 1]} : vector<96x16x224xf32> to vector<1x16x224xf32>
    %squeeze3A_233 = vector.shape_cast %slice3A_232 : vector<1x16x224xf32> to vector<16x224xf32>
    %add3A_234 = arith.addf %add3A_231, %squeeze3A_233 : vector<16x224xf32>
    %slice3A_235 = vector.extract_strided_slice %reshape3A_122 {offsets = [38, 0, 0], sizes = [1, 16, 224], strides = [1, 1, 1]} : vector<96x16x224xf32> to vector<1x16x224xf32>
    %squeeze3A_236 = vector.shape_cast %slice3A_235 : vector<1x16x224xf32> to vector<16x224xf32>
    %add3A_237 = arith.addf %add3A_234, %squeeze3A_236 : vector<16x224xf32>
    %slice3A_238 = vector.extract_strided_slice %reshape3A_122 {offsets = [39, 0, 0], sizes = [1, 16, 224], strides = [1, 1, 1]} : vector<96x16x224xf32> to vector<1x16x224xf32>
    %squeeze3A_239 = vector.shape_cast %slice3A_238 : vector<1x16x224xf32> to vector<16x224xf32>
    %add3A_240 = arith.addf %add3A_237, %squeeze3A_239 : vector<16x224xf32>
    %slice3A_241 = vector.extract_strided_slice %reshape3A_122 {offsets = [40, 0, 0], sizes = [1, 16, 224], strides = [1, 1, 1]} : vector<96x16x224xf32> to vector<1x16x224xf32>
    %squeeze3A_242 = vector.shape_cast %slice3A_241 : vector<1x16x224xf32> to vector<16x224xf32>
    %add3A_243 = arith.addf %add3A_240, %squeeze3A_242 : vector<16x224xf32>
    %slice3A_244 = vector.extract_strided_slice %reshape3A_122 {offsets = [41, 0, 0], sizes = [1, 16, 224], strides = [1, 1, 1]} : vector<96x16x224xf32> to vector<1x16x224xf32>
    %squeeze3A_245 = vector.shape_cast %slice3A_244 : vector<1x16x224xf32> to vector<16x224xf32>
    %add3A_246 = arith.addf %add3A_243, %squeeze3A_245 : vector<16x224xf32>
    %slice3A_247 = vector.extract_strided_slice %reshape3A_122 {offsets = [42, 0, 0], sizes = [1, 16, 224], strides = [1, 1, 1]} : vector<96x16x224xf32> to vector<1x16x224xf32>
    %squeeze3A_248 = vector.shape_cast %slice3A_247 : vector<1x16x224xf32> to vector<16x224xf32>
    %add3A_249 = arith.addf %add3A_246, %squeeze3A_248 : vector<16x224xf32>
    %slice3A_250 = vector.extract_strided_slice %reshape3A_122 {offsets = [43, 0, 0], sizes = [1, 16, 224], strides = [1, 1, 1]} : vector<96x16x224xf32> to vector<1x16x224xf32>
    %squeeze3A_251 = vector.shape_cast %slice3A_250 : vector<1x16x224xf32> to vector<16x224xf32>
    %add3A_252 = arith.addf %add3A_249, %squeeze3A_251 : vector<16x224xf32>
    %slice3A_253 = vector.extract_strided_slice %reshape3A_122 {offsets = [44, 0, 0], sizes = [1, 16, 224], strides = [1, 1, 1]} : vector<96x16x224xf32> to vector<1x16x224xf32>
    %squeeze3A_254 = vector.shape_cast %slice3A_253 : vector<1x16x224xf32> to vector<16x224xf32>
    %add3A_255 = arith.addf %add3A_252, %squeeze3A_254 : vector<16x224xf32>
    %slice3A_256 = vector.extract_strided_slice %reshape3A_122 {offsets = [45, 0, 0], sizes = [1, 16, 224], strides = [1, 1, 1]} : vector<96x16x224xf32> to vector<1x16x224xf32>
    %squeeze3A_257 = vector.shape_cast %slice3A_256 : vector<1x16x224xf32> to vector<16x224xf32>
    %add3A_258 = arith.addf %add3A_255, %squeeze3A_257 : vector<16x224xf32>
    %slice3A_259 = vector.extract_strided_slice %reshape3A_122 {offsets = [46, 0, 0], sizes = [1, 16, 224], strides = [1, 1, 1]} : vector<96x16x224xf32> to vector<1x16x224xf32>
    %squeeze3A_260 = vector.shape_cast %slice3A_259 : vector<1x16x224xf32> to vector<16x224xf32>
    %add3A_261 = arith.addf %add3A_258, %squeeze3A_260 : vector<16x224xf32>
    %slice3A_262 = vector.extract_strided_slice %reshape3A_122 {offsets = [47, 0, 0], sizes = [1, 16, 224], strides = [1, 1, 1]} : vector<96x16x224xf32> to vector<1x16x224xf32>
    %squeeze3A_263 = vector.shape_cast %slice3A_262 : vector<1x16x224xf32> to vector<16x224xf32>
    %add3A_264 = arith.addf %add3A_261, %squeeze3A_263 : vector<16x224xf32>
    %slice3A_265 = vector.extract_strided_slice %reshape3A_122 {offsets = [48, 0, 0], sizes = [1, 16, 224], strides = [1, 1, 1]} : vector<96x16x224xf32> to vector<1x16x224xf32>
    %squeeze3A_266 = vector.shape_cast %slice3A_265 : vector<1x16x224xf32> to vector<16x224xf32>
    %add3A_267 = arith.addf %add3A_264, %squeeze3A_266 : vector<16x224xf32>
    %slice3A_268 = vector.extract_strided_slice %reshape3A_122 {offsets = [49, 0, 0], sizes = [1, 16, 224], strides = [1, 1, 1]} : vector<96x16x224xf32> to vector<1x16x224xf32>
    %squeeze3A_269 = vector.shape_cast %slice3A_268 : vector<1x16x224xf32> to vector<16x224xf32>
    %add3A_270 = arith.addf %add3A_267, %squeeze3A_269 : vector<16x224xf32>
    %slice3A_271 = vector.extract_strided_slice %reshape3A_122 {offsets = [50, 0, 0], sizes = [1, 16, 224], strides = [1, 1, 1]} : vector<96x16x224xf32> to vector<1x16x224xf32>
    %squeeze3A_272 = vector.shape_cast %slice3A_271 : vector<1x16x224xf32> to vector<16x224xf32>
    %add3A_273 = arith.addf %add3A_270, %squeeze3A_272 : vector<16x224xf32>
    %slice3A_274 = vector.extract_strided_slice %reshape3A_122 {offsets = [51, 0, 0], sizes = [1, 16, 224], strides = [1, 1, 1]} : vector<96x16x224xf32> to vector<1x16x224xf32>
    %squeeze3A_275 = vector.shape_cast %slice3A_274 : vector<1x16x224xf32> to vector<16x224xf32>
    %add3A_276 = arith.addf %add3A_273, %squeeze3A_275 : vector<16x224xf32>
    %slice3A_277 = vector.extract_strided_slice %reshape3A_122 {offsets = [52, 0, 0], sizes = [1, 16, 224], strides = [1, 1, 1]} : vector<96x16x224xf32> to vector<1x16x224xf32>
    %squeeze3A_278 = vector.shape_cast %slice3A_277 : vector<1x16x224xf32> to vector<16x224xf32>
    %add3A_279 = arith.addf %add3A_276, %squeeze3A_278 : vector<16x224xf32>
    %slice3A_280 = vector.extract_strided_slice %reshape3A_122 {offsets = [53, 0, 0], sizes = [1, 16, 224], strides = [1, 1, 1]} : vector<96x16x224xf32> to vector<1x16x224xf32>
    %squeeze3A_281 = vector.shape_cast %slice3A_280 : vector<1x16x224xf32> to vector<16x224xf32>
    %add3A_282 = arith.addf %add3A_279, %squeeze3A_281 : vector<16x224xf32>
    %slice3A_283 = vector.extract_strided_slice %reshape3A_122 {offsets = [54, 0, 0], sizes = [1, 16, 224], strides = [1, 1, 1]} : vector<96x16x224xf32> to vector<1x16x224xf32>
    %squeeze3A_284 = vector.shape_cast %slice3A_283 : vector<1x16x224xf32> to vector<16x224xf32>
    %add3A_285 = arith.addf %add3A_282, %squeeze3A_284 : vector<16x224xf32>
    %slice3A_286 = vector.extract_strided_slice %reshape3A_122 {offsets = [55, 0, 0], sizes = [1, 16, 224], strides = [1, 1, 1]} : vector<96x16x224xf32> to vector<1x16x224xf32>
    %squeeze3A_287 = vector.shape_cast %slice3A_286 : vector<1x16x224xf32> to vector<16x224xf32>
    %add3A_288 = arith.addf %add3A_285, %squeeze3A_287 : vector<16x224xf32>
    %slice3A_289 = vector.extract_strided_slice %reshape3A_122 {offsets = [56, 0, 0], sizes = [1, 16, 224], strides = [1, 1, 1]} : vector<96x16x224xf32> to vector<1x16x224xf32>
    %squeeze3A_290 = vector.shape_cast %slice3A_289 : vector<1x16x224xf32> to vector<16x224xf32>
    %add3A_291 = arith.addf %add3A_288, %squeeze3A_290 : vector<16x224xf32>
    %slice3A_292 = vector.extract_strided_slice %reshape3A_122 {offsets = [57, 0, 0], sizes = [1, 16, 224], strides = [1, 1, 1]} : vector<96x16x224xf32> to vector<1x16x224xf32>
    %squeeze3A_293 = vector.shape_cast %slice3A_292 : vector<1x16x224xf32> to vector<16x224xf32>
    %add3A_294 = arith.addf %add3A_291, %squeeze3A_293 : vector<16x224xf32>
    %slice3A_295 = vector.extract_strided_slice %reshape3A_122 {offsets = [58, 0, 0], sizes = [1, 16, 224], strides = [1, 1, 1]} : vector<96x16x224xf32> to vector<1x16x224xf32>
    %squeeze3A_296 = vector.shape_cast %slice3A_295 : vector<1x16x224xf32> to vector<16x224xf32>
    %add3A_297 = arith.addf %add3A_294, %squeeze3A_296 : vector<16x224xf32>
    %slice3A_298 = vector.extract_strided_slice %reshape3A_122 {offsets = [59, 0, 0], sizes = [1, 16, 224], strides = [1, 1, 1]} : vector<96x16x224xf32> to vector<1x16x224xf32>
    %squeeze3A_299 = vector.shape_cast %slice3A_298 : vector<1x16x224xf32> to vector<16x224xf32>
    %add3A_300 = arith.addf %add3A_297, %squeeze3A_299 : vector<16x224xf32>
    %slice3A_301 = vector.extract_strided_slice %reshape3A_122 {offsets = [60, 0, 0], sizes = [1, 16, 224], strides = [1, 1, 1]} : vector<96x16x224xf32> to vector<1x16x224xf32>
    %squeeze3A_302 = vector.shape_cast %slice3A_301 : vector<1x16x224xf32> to vector<16x224xf32>
    %add3A_303 = arith.addf %add3A_300, %squeeze3A_302 : vector<16x224xf32>
    %slice3A_304 = vector.extract_strided_slice %reshape3A_122 {offsets = [61, 0, 0], sizes = [1, 16, 224], strides = [1, 1, 1]} : vector<96x16x224xf32> to vector<1x16x224xf32>
    %squeeze3A_305 = vector.shape_cast %slice3A_304 : vector<1x16x224xf32> to vector<16x224xf32>
    %add3A_306 = arith.addf %add3A_303, %squeeze3A_305 : vector<16x224xf32>
    %slice3A_307 = vector.extract_strided_slice %reshape3A_122 {offsets = [62, 0, 0], sizes = [1, 16, 224], strides = [1, 1, 1]} : vector<96x16x224xf32> to vector<1x16x224xf32>
    %squeeze3A_308 = vector.shape_cast %slice3A_307 : vector<1x16x224xf32> to vector<16x224xf32>
    %add3A_309 = arith.addf %add3A_306, %squeeze3A_308 : vector<16x224xf32>
    %slice3A_310 = vector.extract_strided_slice %reshape3A_122 {offsets = [63, 0, 0], sizes = [1, 16, 224], strides = [1, 1, 1]} : vector<96x16x224xf32> to vector<1x16x224xf32>
    %squeeze3A_311 = vector.shape_cast %slice3A_310 : vector<1x16x224xf32> to vector<16x224xf32>
    %add3A_312 = arith.addf %add3A_309, %squeeze3A_311 : vector<16x224xf32>
    %slice3A_313 = vector.extract_strided_slice %reshape3A_122 {offsets = [64, 0, 0], sizes = [1, 16, 224], strides = [1, 1, 1]} : vector<96x16x224xf32> to vector<1x16x224xf32>
    %squeeze3A_314 = vector.shape_cast %slice3A_313 : vector<1x16x224xf32> to vector<16x224xf32>
    %add3A_315 = arith.addf %add3A_312, %squeeze3A_314 : vector<16x224xf32>
    %slice3A_316 = vector.extract_strided_slice %reshape3A_122 {offsets = [65, 0, 0], sizes = [1, 16, 224], strides = [1, 1, 1]} : vector<96x16x224xf32> to vector<1x16x224xf32>
    %squeeze3A_317 = vector.shape_cast %slice3A_316 : vector<1x16x224xf32> to vector<16x224xf32>
    %add3A_318 = arith.addf %add3A_315, %squeeze3A_317 : vector<16x224xf32>
    %slice3A_319 = vector.extract_strided_slice %reshape3A_122 {offsets = [66, 0, 0], sizes = [1, 16, 224], strides = [1, 1, 1]} : vector<96x16x224xf32> to vector<1x16x224xf32>
    %squeeze3A_320 = vector.shape_cast %slice3A_319 : vector<1x16x224xf32> to vector<16x224xf32>
    %add3A_321 = arith.addf %add3A_318, %squeeze3A_320 : vector<16x224xf32>
    %slice3A_322 = vector.extract_strided_slice %reshape3A_122 {offsets = [67, 0, 0], sizes = [1, 16, 224], strides = [1, 1, 1]} : vector<96x16x224xf32> to vector<1x16x224xf32>
    %squeeze3A_323 = vector.shape_cast %slice3A_322 : vector<1x16x224xf32> to vector<16x224xf32>
    %add3A_324 = arith.addf %add3A_321, %squeeze3A_323 : vector<16x224xf32>
    %slice3A_325 = vector.extract_strided_slice %reshape3A_122 {offsets = [68, 0, 0], sizes = [1, 16, 224], strides = [1, 1, 1]} : vector<96x16x224xf32> to vector<1x16x224xf32>
    %squeeze3A_326 = vector.shape_cast %slice3A_325 : vector<1x16x224xf32> to vector<16x224xf32>
    %add3A_327 = arith.addf %add3A_324, %squeeze3A_326 : vector<16x224xf32>
    %slice3A_328 = vector.extract_strided_slice %reshape3A_122 {offsets = [69, 0, 0], sizes = [1, 16, 224], strides = [1, 1, 1]} : vector<96x16x224xf32> to vector<1x16x224xf32>
    %squeeze3A_329 = vector.shape_cast %slice3A_328 : vector<1x16x224xf32> to vector<16x224xf32>
    %add3A_330 = arith.addf %add3A_327, %squeeze3A_329 : vector<16x224xf32>
    %slice3A_331 = vector.extract_strided_slice %reshape3A_122 {offsets = [70, 0, 0], sizes = [1, 16, 224], strides = [1, 1, 1]} : vector<96x16x224xf32> to vector<1x16x224xf32>
    %squeeze3A_332 = vector.shape_cast %slice3A_331 : vector<1x16x224xf32> to vector<16x224xf32>
    %add3A_333 = arith.addf %add3A_330, %squeeze3A_332 : vector<16x224xf32>
    %slice3A_334 = vector.extract_strided_slice %reshape3A_122 {offsets = [71, 0, 0], sizes = [1, 16, 224], strides = [1, 1, 1]} : vector<96x16x224xf32> to vector<1x16x224xf32>
    %squeeze3A_335 = vector.shape_cast %slice3A_334 : vector<1x16x224xf32> to vector<16x224xf32>
    %add3A_336 = arith.addf %add3A_333, %squeeze3A_335 : vector<16x224xf32>
    %slice3A_337 = vector.extract_strided_slice %reshape3A_122 {offsets = [72, 0, 0], sizes = [1, 16, 224], strides = [1, 1, 1]} : vector<96x16x224xf32> to vector<1x16x224xf32>
    %squeeze3A_338 = vector.shape_cast %slice3A_337 : vector<1x16x224xf32> to vector<16x224xf32>
    %add3A_339 = arith.addf %add3A_336, %squeeze3A_338 : vector<16x224xf32>
    %slice3A_340 = vector.extract_strided_slice %reshape3A_122 {offsets = [73, 0, 0], sizes = [1, 16, 224], strides = [1, 1, 1]} : vector<96x16x224xf32> to vector<1x16x224xf32>
    %squeeze3A_341 = vector.shape_cast %slice3A_340 : vector<1x16x224xf32> to vector<16x224xf32>
    %add3A_342 = arith.addf %add3A_339, %squeeze3A_341 : vector<16x224xf32>
    %slice3A_343 = vector.extract_strided_slice %reshape3A_122 {offsets = [74, 0, 0], sizes = [1, 16, 224], strides = [1, 1, 1]} : vector<96x16x224xf32> to vector<1x16x224xf32>
    %squeeze3A_344 = vector.shape_cast %slice3A_343 : vector<1x16x224xf32> to vector<16x224xf32>
    %add3A_345 = arith.addf %add3A_342, %squeeze3A_344 : vector<16x224xf32>
    %slice3A_346 = vector.extract_strided_slice %reshape3A_122 {offsets = [75, 0, 0], sizes = [1, 16, 224], strides = [1, 1, 1]} : vector<96x16x224xf32> to vector<1x16x224xf32>
    %squeeze3A_347 = vector.shape_cast %slice3A_346 : vector<1x16x224xf32> to vector<16x224xf32>
    %add3A_348 = arith.addf %add3A_345, %squeeze3A_347 : vector<16x224xf32>
    %slice3A_349 = vector.extract_strided_slice %reshape3A_122 {offsets = [76, 0, 0], sizes = [1, 16, 224], strides = [1, 1, 1]} : vector<96x16x224xf32> to vector<1x16x224xf32>
    %squeeze3A_350 = vector.shape_cast %slice3A_349 : vector<1x16x224xf32> to vector<16x224xf32>
    %add3A_351 = arith.addf %add3A_348, %squeeze3A_350 : vector<16x224xf32>
    %slice3A_352 = vector.extract_strided_slice %reshape3A_122 {offsets = [77, 0, 0], sizes = [1, 16, 224], strides = [1, 1, 1]} : vector<96x16x224xf32> to vector<1x16x224xf32>
    %squeeze3A_353 = vector.shape_cast %slice3A_352 : vector<1x16x224xf32> to vector<16x224xf32>
    %add3A_354 = arith.addf %add3A_351, %squeeze3A_353 : vector<16x224xf32>
    %slice3A_355 = vector.extract_strided_slice %reshape3A_122 {offsets = [78, 0, 0], sizes = [1, 16, 224], strides = [1, 1, 1]} : vector<96x16x224xf32> to vector<1x16x224xf32>
    %squeeze3A_356 = vector.shape_cast %slice3A_355 : vector<1x16x224xf32> to vector<16x224xf32>
    %add3A_357 = arith.addf %add3A_354, %squeeze3A_356 : vector<16x224xf32>
    %slice3A_358 = vector.extract_strided_slice %reshape3A_122 {offsets = [79, 0, 0], sizes = [1, 16, 224], strides = [1, 1, 1]} : vector<96x16x224xf32> to vector<1x16x224xf32>
    %squeeze3A_359 = vector.shape_cast %slice3A_358 : vector<1x16x224xf32> to vector<16x224xf32>
    %add3A_360 = arith.addf %add3A_357, %squeeze3A_359 : vector<16x224xf32>
    %slice3A_361 = vector.extract_strided_slice %reshape3A_122 {offsets = [80, 0, 0], sizes = [1, 16, 224], strides = [1, 1, 1]} : vector<96x16x224xf32> to vector<1x16x224xf32>
    %squeeze3A_362 = vector.shape_cast %slice3A_361 : vector<1x16x224xf32> to vector<16x224xf32>
    %add3A_363 = arith.addf %add3A_360, %squeeze3A_362 : vector<16x224xf32>
    %slice3A_364 = vector.extract_strided_slice %reshape3A_122 {offsets = [81, 0, 0], sizes = [1, 16, 224], strides = [1, 1, 1]} : vector<96x16x224xf32> to vector<1x16x224xf32>
    %squeeze3A_365 = vector.shape_cast %slice3A_364 : vector<1x16x224xf32> to vector<16x224xf32>
    %add3A_366 = arith.addf %add3A_363, %squeeze3A_365 : vector<16x224xf32>
    %slice3A_367 = vector.extract_strided_slice %reshape3A_122 {offsets = [82, 0, 0], sizes = [1, 16, 224], strides = [1, 1, 1]} : vector<96x16x224xf32> to vector<1x16x224xf32>
    %squeeze3A_368 = vector.shape_cast %slice3A_367 : vector<1x16x224xf32> to vector<16x224xf32>
    %add3A_369 = arith.addf %add3A_366, %squeeze3A_368 : vector<16x224xf32>
    %slice3A_370 = vector.extract_strided_slice %reshape3A_122 {offsets = [83, 0, 0], sizes = [1, 16, 224], strides = [1, 1, 1]} : vector<96x16x224xf32> to vector<1x16x224xf32>
    %squeeze3A_371 = vector.shape_cast %slice3A_370 : vector<1x16x224xf32> to vector<16x224xf32>
    %add3A_372 = arith.addf %add3A_369, %squeeze3A_371 : vector<16x224xf32>
    %slice3A_373 = vector.extract_strided_slice %reshape3A_122 {offsets = [84, 0, 0], sizes = [1, 16, 224], strides = [1, 1, 1]} : vector<96x16x224xf32> to vector<1x16x224xf32>
    %squeeze3A_374 = vector.shape_cast %slice3A_373 : vector<1x16x224xf32> to vector<16x224xf32>
    %add3A_375 = arith.addf %add3A_372, %squeeze3A_374 : vector<16x224xf32>
    %slice3A_376 = vector.extract_strided_slice %reshape3A_122 {offsets = [85, 0, 0], sizes = [1, 16, 224], strides = [1, 1, 1]} : vector<96x16x224xf32> to vector<1x16x224xf32>
    %squeeze3A_377 = vector.shape_cast %slice3A_376 : vector<1x16x224xf32> to vector<16x224xf32>
    %add3A_378 = arith.addf %add3A_375, %squeeze3A_377 : vector<16x224xf32>
    %slice3A_379 = vector.extract_strided_slice %reshape3A_122 {offsets = [86, 0, 0], sizes = [1, 16, 224], strides = [1, 1, 1]} : vector<96x16x224xf32> to vector<1x16x224xf32>
    %squeeze3A_380 = vector.shape_cast %slice3A_379 : vector<1x16x224xf32> to vector<16x224xf32>
    %add3A_381 = arith.addf %add3A_378, %squeeze3A_380 : vector<16x224xf32>
    %slice3A_382 = vector.extract_strided_slice %reshape3A_122 {offsets = [87, 0, 0], sizes = [1, 16, 224], strides = [1, 1, 1]} : vector<96x16x224xf32> to vector<1x16x224xf32>
    %squeeze3A_383 = vector.shape_cast %slice3A_382 : vector<1x16x224xf32> to vector<16x224xf32>
    %add3A_384 = arith.addf %add3A_381, %squeeze3A_383 : vector<16x224xf32>
    %slice3A_385 = vector.extract_strided_slice %reshape3A_122 {offsets = [88, 0, 0], sizes = [1, 16, 224], strides = [1, 1, 1]} : vector<96x16x224xf32> to vector<1x16x224xf32>
    %squeeze3A_386 = vector.shape_cast %slice3A_385 : vector<1x16x224xf32> to vector<16x224xf32>
    %add3A_387 = arith.addf %add3A_384, %squeeze3A_386 : vector<16x224xf32>
    %slice3A_388 = vector.extract_strided_slice %reshape3A_122 {offsets = [89, 0, 0], sizes = [1, 16, 224], strides = [1, 1, 1]} : vector<96x16x224xf32> to vector<1x16x224xf32>
    %squeeze3A_389 = vector.shape_cast %slice3A_388 : vector<1x16x224xf32> to vector<16x224xf32>
    %add3A_390 = arith.addf %add3A_387, %squeeze3A_389 : vector<16x224xf32>
    %slice3A_391 = vector.extract_strided_slice %reshape3A_122 {offsets = [90, 0, 0], sizes = [1, 16, 224], strides = [1, 1, 1]} : vector<96x16x224xf32> to vector<1x16x224xf32>
    %squeeze3A_392 = vector.shape_cast %slice3A_391 : vector<1x16x224xf32> to vector<16x224xf32>
    %add3A_393 = arith.addf %add3A_390, %squeeze3A_392 : vector<16x224xf32>
    %slice3A_394 = vector.extract_strided_slice %reshape3A_122 {offsets = [91, 0, 0], sizes = [1, 16, 224], strides = [1, 1, 1]} : vector<96x16x224xf32> to vector<1x16x224xf32>
    %squeeze3A_395 = vector.shape_cast %slice3A_394 : vector<1x16x224xf32> to vector<16x224xf32>
    %add3A_396 = arith.addf %add3A_393, %squeeze3A_395 : vector<16x224xf32>
    %slice3A_397 = vector.extract_strided_slice %reshape3A_122 {offsets = [92, 0, 0], sizes = [1, 16, 224], strides = [1, 1, 1]} : vector<96x16x224xf32> to vector<1x16x224xf32>
    %squeeze3A_398 = vector.shape_cast %slice3A_397 : vector<1x16x224xf32> to vector<16x224xf32>
    %add3A_399 = arith.addf %add3A_396, %squeeze3A_398 : vector<16x224xf32>
    %slice3A_400 = vector.extract_strided_slice %reshape3A_122 {offsets = [93, 0, 0], sizes = [1, 16, 224], strides = [1, 1, 1]} : vector<96x16x224xf32> to vector<1x16x224xf32>
    %squeeze3A_401 = vector.shape_cast %slice3A_400 : vector<1x16x224xf32> to vector<16x224xf32>
    %add3A_402 = arith.addf %add3A_399, %squeeze3A_401 : vector<16x224xf32>
    %slice3A_403 = vector.extract_strided_slice %reshape3A_122 {offsets = [94, 0, 0], sizes = [1, 16, 224], strides = [1, 1, 1]} : vector<96x16x224xf32> to vector<1x16x224xf32>
    %squeeze3A_404 = vector.shape_cast %slice3A_403 : vector<1x16x224xf32> to vector<16x224xf32>
    %add3A_405 = arith.addf %add3A_402, %squeeze3A_404 : vector<16x224xf32>
    %slice3A_406 = vector.extract_strided_slice %reshape3A_122 {offsets = [95, 0, 0], sizes = [1, 16, 224], strides = [1, 1, 1]} : vector<96x16x224xf32> to vector<1x16x224xf32>
    %squeeze3A_407 = vector.shape_cast %slice3A_406 : vector<1x16x224xf32> to vector<16x224xf32>
    %add3A_408 = arith.addf %add3A_405, %squeeze3A_407 : vector<16x224xf32>
    %broadcast_in_dim3A = vector.shape_cast %add3A_408 : vector<16x224xf32> to vector<1x16x224xf32>
    %broadcast_in_dim3A_409 = vector.shape_cast %broadcast_in_dim3A : vector<1x16x224xf32> to vector<1x16x224xf32>
    %broadcast_in_dim3A_410 = vector.broadcast %broadcast_in_dim3A_409 : vector<1x16x224xf32> to vector<96x16x224xf32>
    %reshape3A_411 = vector.shape_cast %broadcast_in_dim3A_410 : vector<96x16x224xf32> to vector<1536x224xf32>
    %add3A_412 = arith.addf %exp3A_70, %reshape3A_411 : vector<1536x224xf32>
    %div3A = arith.divf %exp3A, %add3A_412 : vector<1536x224xf32>
    %reshape3A_413 = vector.shape_cast %div3A : vector<1536x224xf32> to vector<96x16x224xf32>
    %swap3A = arith.constant 0 : index
    %swap3A_414 = arith.constant 0 : index
    %swap3A_415 = arith.constant 0 : index
    %swap3A_416 = arith.constant 0 : index
    %swap3A_417 = vector.load %arg4[%swap3A, %swap3A_414, %swap3A_415, %swap3A_416] : memref<1x96x16x224xf32, #tpu.memory_space<vmem>>, vector<1x96x16x224xf32>
    %swap3A_418 = vector.shape_cast %swap3A_417 : vector<1x96x16x224xf32> to vector<96x16x224xf32>
    %swap3A_419 = vector.shape_cast %reshape3A_413 : vector<96x16x224xf32> to vector<1x96x16x224xf32>
    tpu.vector_store %arg4[%swap3A, %swap3A_414, %swap3A_415, %swap3A_416], %swap3A_419 {strides = array<i32>} : memref<1x96x16x224xf32, #tpu.memory_space<vmem>>, vector<1x96x16x224xf32>,
    %slice3A_420 = vector.extract_strided_slice %div3A {offsets = [1, 0], sizes = [1535, 224], strides = [1, 1]} : vector<1536x224xf32> to vector<1535x224xf32>
    %slice3A_421 = vector.extract_strided_slice %div3A {offsets = [0, 0], sizes = [1, 224], strides = [1, 1]} : vector<1536x224xf32> to vector<1x224xf32>
    %concatenate3A_422 = tpu.concatenate %slice3A_420, %slice3A_421 in 0 : vector<1535x224xf32>, vector<1x224xf32> -> vector<1536x224xf32>
    %slice3A_423 = vector.extract_strided_slice %div3A {offsets = [1535, 0], sizes = [1, 224], strides = [1, 1]} : vector<1536x224xf32> to vector<1x224xf32>
    %slice3A_424 = vector.extract_strided_slice %div3A {offsets = [0, 0], sizes = [1535, 224], strides = [1, 1]} : vector<1536x224xf32> to vector<1535x224xf32>
    %concatenate3A_425 = tpu.concatenate %slice3A_423, %slice3A_424 in 0 : vector<1x224xf32>, vector<1535x224xf32> -> vector<1536x224xf32>
    %select_n3A_426 = arith.select %eq3A_29, %concatenate3A_422, %concatenate3A_425 : vector<1536x224xi1>, vector<1536x224xf32>
    %select_n3A_427 = arith.select %eq3A_29, %div3A, %select_n3A_426 : vector<1536x224xi1>, vector<1536x224xf32>
    %slice3A_428 = vector.extract_strided_slice %div3A {offsets = [1, 0], sizes = [1535, 224], strides = [1, 1]} : vector<1536x224xf32> to vector<1535x224xf32>
    %slice3A_429 = vector.extract_strided_slice %div3A {offsets = [0, 0], sizes = [1, 224], strides = [1, 1]} : vector<1536x224xf32> to vector<1x224xf32>
    %concatenate3A_430 = tpu.concatenate %slice3A_428, %slice3A_429 in 0 : vector<1535x224xf32>, vector<1x224xf32> -> vector<1536x224xf32>
    %slice3A_431 = vector.extract_strided_slice %div3A {offsets = [1535, 0], sizes = [1, 224], strides = [1, 1]} : vector<1536x224xf32> to vector<1x224xf32>
    %slice3A_432 = vector.extract_strided_slice %div3A {offsets = [0, 0], sizes = [1535, 224], strides = [1, 1]} : vector<1536x224xf32> to vector<1535x224xf32>
    %concatenate3A_433 = tpu.concatenate %slice3A_431, %slice3A_432 in 0 : vector<1x224xf32>, vector<1535x224xf32> -> vector<1536x224xf32>
    %select_n3A_434 = arith.select %eq3A_29, %concatenate3A_430, %concatenate3A_433 : vector<1536x224xi1>, vector<1536x224xf32>
    %select_n3A_435 = arith.select %eq3A_29, %select_n3A_434, %div3A : vector<1536x224xi1>, vector<1536x224xf32>
    %slice3A_436 = vector.extract_strided_slice %select_n3A_427 {offsets = [0, 1], sizes = [1536, 223], strides = [1, 1]} : vector<1536x224xf32> to vector<1536x223xf32>
    %slice3A_437 = vector.extract_strided_slice %select_n3A_427 {offsets = [0, 0], sizes = [1536, 1], strides = [1, 1]} : vector<1536x224xf32> to vector<1536x1xf32>
    %concatenate3A_438 = tpu.concatenate %slice3A_436, %slice3A_437 in 1 : vector<1536x223xf32>, vector<1536x1xf32> -> vector<1536x224xf32>
    %slice3A_439 = vector.extract_strided_slice %select_n3A_427 {offsets = [0, 223], sizes = [1536, 1], strides = [1, 1]} : vector<1536x224xf32> to vector<1536x1xf32>
    %slice3A_440 = vector.extract_strided_slice %select_n3A_427 {offsets = [0, 0], sizes = [1536, 223], strides = [1, 1]} : vector<1536x224xf32> to vector<1536x223xf32>
    %concatenate3A_441 = tpu.concatenate %slice3A_439, %slice3A_440 in 1 : vector<1536x1xf32>, vector<1536x223xf32> -> vector<1536x224xf32>
    %select_n3A_442 = arith.select %eq3A_54, %concatenate3A_438, %concatenate3A_441 : vector<1536x224xi1>, vector<1536x224xf32>
    %select_n3A_443 = arith.select %eq3A_54, %select_n3A_427, %select_n3A_442 : vector<1536x224xi1>, vector<1536x224xf32>
    %slice3A_444 = vector.extract_strided_slice %select_n3A_427 {offsets = [0, 1], sizes = [1536, 223], strides = [1, 1]} : vector<1536x224xf32> to vector<1536x223xf32>
    %slice3A_445 = vector.extract_strided_slice %select_n3A_427 {offsets = [0, 0], sizes = [1536, 1], strides = [1, 1]} : vector<1536x224xf32> to vector<1536x1xf32>
    %concatenate3A_446 = tpu.concatenate %slice3A_444, %slice3A_445 in 1 : vector<1536x223xf32>, vector<1536x1xf32> -> vector<1536x224xf32>
    %slice3A_447 = vector.extract_strided_slice %select_n3A_427 {offsets = [0, 223], sizes = [1536, 1], strides = [1, 1]} : vector<1536x224xf32> to vector<1536x1xf32>
    %slice3A_448 = vector.extract_strided_slice %select_n3A_427 {offsets = [0, 0], sizes = [1536, 223], strides = [1, 1]} : vector<1536x224xf32> to vector<1536x223xf32>
    %concatenate3A_449 = tpu.concatenate %slice3A_447, %slice3A_448 in 1 : vector<1536x1xf32>, vector<1536x223xf32> -> vector<1536x224xf32>
    %select_n3A_450 = arith.select %eq3A_54, %concatenate3A_446, %concatenate3A_449 : vector<1536x224xi1>, vector<1536x224xf32>
    %select_n3A_451 = arith.select %eq3A_54, %select_n3A_450, %select_n3A_427 : vector<1536x224xi1>, vector<1536x224xf32>
    %slice3A_452 = vector.extract_strided_slice %select_n3A_435 {offsets = [0, 1], sizes = [1536, 223], strides = [1, 1]} : vector<1536x224xf32> to vector<1536x223xf32>
    %slice3A_453 = vector.extract_strided_slice %select_n3A_435 {offsets = [0, 0], sizes = [1536, 1], strides = [1, 1]} : vector<1536x224xf32> to vector<1536x1xf32>
    %concatenate3A_454 = tpu.concatenate %slice3A_452, %slice3A_453 in 1 : vector<1536x223xf32>, vector<1536x1xf32> -> vector<1536x224xf32>
    %slice3A_455 = vector.extract_strided_slice %select_n3A_435 {offsets = [0, 223], sizes = [1536, 1], strides = [1, 1]} : vector<1536x224xf32> to vector<1536x1xf32>
    %slice3A_456 = vector.extract_strided_slice %select_n3A_435 {offsets = [0, 0], sizes = [1536, 223], strides = [1, 1]} : vector<1536x224xf32> to vector<1536x223xf32>
    %concatenate3A_457 = tpu.concatenate %slice3A_455, %slice3A_456 in 1 : vector<1536x1xf32>, vector<1536x223xf32> -> vector<1536x224xf32>
    %select_n3A_458 = arith.select %eq3A_54, %concatenate3A_454, %concatenate3A_457 : vector<1536x224xi1>, vector<1536x224xf32>
    %select_n3A_459 = arith.select %eq3A_54, %select_n3A_435, %select_n3A_458 : vector<1536x224xi1>, vector<1536x224xf32>
    %slice3A_460 = vector.extract_strided_slice %select_n3A_435 {offsets = [0, 1], sizes = [1536, 223], strides = [1, 1]} : vector<1536x224xf32> to vector<1536x223xf32>
    %slice3A_461 = vector.extract_strided_slice %select_n3A_435 {offsets = [0, 0], sizes = [1536, 1], strides = [1, 1]} : vector<1536x224xf32> to vector<1536x1xf32>
    %concatenate3A_462 = tpu.concatenate %slice3A_460, %slice3A_461 in 1 : vector<1536x223xf32>, vector<1536x1xf32> -> vector<1536x224xf32>
    %slice3A_463 = vector.extract_strided_slice %select_n3A_435 {offsets = [0, 223], sizes = [1536, 1], strides = [1, 1]} : vector<1536x224xf32> to vector<1536x1xf32>
    %slice3A_464 = vector.extract_strided_slice %select_n3A_435 {offsets = [0, 0], sizes = [1536, 223], strides = [1, 1]} : vector<1536x224xf32> to vector<1536x223xf32>
    %concatenate3A_465 = tpu.concatenate %slice3A_463, %slice3A_464 in 1 : vector<1536x1xf32>, vector<1536x223xf32> -> vector<1536x224xf32>
    %select_n3A_466 = arith.select %eq3A_54, %concatenate3A_462, %concatenate3A_465 : vector<1536x224xi1>, vector<1536x224xf32>
    %select_n3A_467 = arith.select %eq3A_54, %select_n3A_466, %select_n3A_435 : vector<1536x224xi1>, vector<1536x224xf32>
    %add3A_468 = arith.addf %select_n3A_443, %select_n3A_451 : vector<1536x224xf32>
    %add3A_469 = arith.addf %add3A_468, %select_n3A_459 : vector<1536x224xf32>
    %add3A_470 = arith.addf %add3A_469, %select_n3A_467 : vector<1536x224xf32>
    %sub3A_471 = arith.constant 1.000000e+00 : f32
    %sub3A_472 = vector.broadcast %sub3A_471 : f32 to vector<1536x224xf32>
    %sub3A_473 = arith.subf %sub3A_472, %add3A_470 : vector<1536x224xf32>
    %add3A_474 = arith.addf %add3A_470, %sub3A_473 : vector<1536x224xf32>
    %select_n3A_475 = arith.select %eq3A_54, %select_n3A_443, %add3A_468 : vector<1536x224xi1>, vector<1536x224xf32>
    %select_n3A_476 = arith.select %eq3A_54, %add3A_469, %add3A_470 : vector<1536x224xi1>, vector<1536x224xf32>
    %select_n3A_477 = arith.select %eq3A_29, %select_n3A_475, %select_n3A_476 : vector<1536x224xi1>, vector<1536x224xf32>
    %broadcast_in_dim3A_478 = arith.constant 0.000000e+00 : f32
    %broadcast_in_dim3A_479 = vector.broadcast %broadcast_in_dim3A_478 : f32 to vector<1536x224xf32>
    %select_n3A_480 = arith.select %eq3A_54, %broadcast_in_dim3A_479, %select_n3A_443 : vector<1536x224xi1>, vector<1536x224xf32>
    %select_n3A_481 = arith.select %eq3A_54, %add3A_468, %add3A_469 : vector<1536x224xi1>, vector<1536x224xf32>
    %select_n3A_482 = arith.select %eq3A_29, %select_n3A_480, %select_n3A_481 : vector<1536x224xi1>, vector<1536x224xf32>
    %lt3A_483 = arith.cmpf olt, %add3A_474, %reshape3A_11 : vector<1536x224xf32>
    %and3A_484 = arith.andi %eq3A_29, %eq3A_54 : vector<1536x224xi1>
    %ge3A = arith.cmpf oge, %select_n3A_443, %reshape3A_11 : vector<1536x224xf32>
    %or3A = arith.ori %ge3A, %lt3A_483 : vector<1536x224xi1>
    %jit3A_485 = arith.constant 1.000000e+00 : f32
    %jit3A_486 = arith.constant 0.000000e+00 : f32
    %broadcast_in_dim3A_487 = vector.broadcast %jit3A_485 : f32 to vector<1536x224xf32>
    %broadcast_in_dim3A_488 = vector.broadcast %jit3A_486 : f32 to vector<1536x224xf32>
    %select_n3A_489 = arith.select %or3A, %broadcast_in_dim3A_487, %broadcast_in_dim3A_488 : vector<1536x224xi1>, vector<1536x224xf32>
    %ge3A_490 = arith.cmpf oge, %select_n3A_477, %reshape3A_11 : vector<1536x224xf32>
    %lt3A_491 = arith.cmpf olt, %select_n3A_482, %reshape3A_11 : vector<1536x224xf32>
    %and3A_492 = arith.andi %ge3A_490, %lt3A_491 : vector<1536x224xi1>
    %jit3A_493 = arith.constant 1.000000e+00 : f32
    %jit3A_494 = arith.constant 0.000000e+00 : f32
    %broadcast_in_dim3A_495 = vector.broadcast %jit3A_493 : f32 to vector<1536x224xf32>
    %broadcast_in_dim3A_496 = vector.broadcast %jit3A_494 : f32 to vector<1536x224xf32>
    %select_n3A_497 = arith.select %and3A_492, %broadcast_in_dim3A_495, %broadcast_in_dim3A_496 : vector<1536x224xi1>, vector<1536x224xf32>
    %select_n3A_498 = arith.select %and3A_484, %select_n3A_489, %select_n3A_497 : vector<1536x224xi1>, vector<1536x224xf32>
    %reshape3A_499 = vector.shape_cast %select_n3A_498 : vector<1536x224xf32> to vector<96x16x224xf32>
    %swap3A_500 = arith.constant 0 : index
    %swap3A_501 = arith.constant 0 : index
    %swap3A_502 = arith.constant 0 : index
    %swap3A_503 = arith.constant 0 : index
    %swap3A_504 = vector.load %arg5[%swap3A_500, %swap3A_501, %swap3A_502, %swap3A_503] : memref<1x96x16x224xf32, #tpu.memory_space<vmem>>, vector<1x96x16x224xf32>
    %swap3A_505 = vector.shape_cast %swap3A_504 : vector<1x96x16x224xf32> to vector<96x16x224xf32>
    %swap3A_506 = vector.shape_cast %reshape3A_499 : vector<96x16x224xf32> to vector<1x96x16x224xf32>
    tpu.vector_store %arg5[%swap3A_500, %swap3A_501, %swap3A_502, %swap3A_503], %swap3A_506 {strides = array<i32>} : memref<1x96x16x224xf32, #tpu.memory_space<vmem>>, vector<1x96x16x224xf32>,
    return
  }
  func.func @transform_0(%arg0: i32, %arg1: i32) -> (i32, i32, i32, i32) {
    %c0_i32 = arith.constant 0 : i32
    %c0_i32_0 = arith.constant 0 : i32
    %c0_i32_1 = arith.constant 0 : i32
    return %arg0, %c0_i32, %arg1, %c0_i32_0 : i32, i32, i32, i32
  }
  func.func @transform_1(%arg0: i32, %arg1: i32) -> (i32, i32, i32, i32) {
    %c0_i32 = arith.constant 0 : i32
    %c0_i32_0 = arith.constant 0 : i32
    %c0_i32_1 = arith.constant 0 : i32
    return %arg0, %c0_i32, %arg1, %c0_i32_0 : i32, i32, i32, i32
  }
  func.func @transform_2(%arg0: i32, %arg1: i32) -> (i32, i32, i32, i32) {
    %c0_i32 = arith.constant 0 : i32
    %c0_i32_0 = arith.constant 0 : i32
    %c0_i32_1 = arith.constant 0 : i32
    return %arg0, %c0_i32, %arg1, %c0_i32_0 : i32, i32, i32, i32
  }
  func.func @transform_3(%arg0: i32, %arg1: i32) -> (i32, i32, i32, i32) {
    %c0_i32 = arith.constant 0 : i32
    %c0_i32_0 = arith.constant 0 : i32
    %c0_i32_1 = arith.constant 0 : i32
    return %arg0, %c0_i32, %arg1, %c0_i32_0 : i32, i32, i32, i32
  }
}

</mosaic_0001>

<sc_bundles>
// kernel: sparse-core-data-format-call.cloned.1.call-start
scs
called_computation_lowered:
.L_overlay_start_0:
0x0: {  	s2 =	sld [smem:$0x3FD9]  }
0x1: {  	s3 =	sld [smem:$0x3FFE];
	_ =	sdelay $0x1  }
0x2: {  	s1 =	srdreg.scid  }
0x3: {  	s0 =	sand.u32 $0x1, s1  }
0x4: {  	s16 =	sshll.u32 s0, $0xA;
	s2 =	sadd.s32 s3, s2  }
0x5: {  	s2 =	sadd.s32 s2, s16  }
0x6: {  	[smem:$0x3FC7] =	sst s2  }
0x7: {  	_ = 	snop  }
0x8: {  	s2 =	sld [smem:$0x3FD0];
	_ =	sdelay $0x2  }
0x9: {  	s17 =	simm.s32 $0xA;
	s4 =	simm.s32 $0x10  }
0xa: {  	[smem:s4], [sflag:s17] =	dma.local [hbm:s2], $0x1  }
0xb: {  	_ =	swait.eq [sflag:s17], $0x1  }
0xc: {  	[sflag:s17] =	ssyncset.done $0x0  }
0xd: {  	s18 =	sld [smem:$0x10];
	[sflag:s17] =	ssyncadd.s32 $0xFFFFFFFF  }
0xe: {  	s19 =	sld [smem:$0x11];
	(tm) =	ssettm $0x1  }
0xf: {  	s20 =	sld [smem:$0x3FFB];
	_ =	sdelay $0x3  }
0x10: {  	_ =	strace s20  }
0x11: {  	s4 =	sld [smem:$0x3FFC];
	_ =	sdelay $0x3  }
0x12: {  	_ =	strace s4  }
0x13: {  	s4 =	sld [smem:$0x3FFD];
	_ =	sdelay $0x3  }
0x14: {  	_ =	strace s4  }
0x15: {  	_ =	strace $0x8FFFFFFF  }
0x16: {  	s21 =	sld [smem:$0x3FDB];
	_ =	sdelay $0x1  }
0x17: {  	s5 =	simm.s32 $_scs_section_size  }
0x18: {  	s6 =	simm.s32 $_size__tile_overlayer_lowered;
	s7 =	simm.s32 $_tile_overlayer_lowered  }
0x19: {  	s24 =	simm.s32 $0x1BFF;
	s23 =	sshll.u32 s7, $0x1;
	s4 =	sadd.s32 s5, s21  }
0x1a: {  	s8 =	simm.s32 $0x0;
	s22 =	sshll.u32 s6, $0x1;
	s6 =	sadd.s32 s23, s4  }
0x1b: {  	[timem:s8], [sflag:s24] =	dma.local [hbm:s6], s22  }
0x1c: {  	_ =	swait.ge [sflag:s24], s22  }
0x1d: {  	s5 =	ssub.s32 $0x0, s22;
	[sflag:s24] =	ssyncset.done $0x0  }
0x1e: {  	[sflag:s24] =	ssyncadd.s32 s5;
	_ =	sdelay $0x1  }
0x1f: {  	s25 =	simm.s32 $0x1B8B  }
0x20: {  	_ =	swait.ge [sflag:s25], $0x1  }
0x21: {  	[sflag:s25] =	ssyncset.done $0x0  }
0x22: {  	s26 =	simm.s32 $0x1B8E;
	[sflag:s25] =	ssyncadd.s32 $0xFFFFFFFF  }
0x23: {  	s27 =	simm.s32 $execute0_lowered;
	[smem:$0x3FD2] =	sst s26  }
0x24: {  	s5 =	sshll.u32 s27, $0x1;
	_ =	strace $0x80000046;
	[dreg:$0x1] =	wrdreg $0xFFFFFFFF  }
0x25: {  	s28 =	simm.s32 $_size_execute0_lowered;
	s4 =	sadd.s32 s4, s5;
	[dreg:$0x0] =	wrdreg $0x0  }
0x26: {  	s5 =	sshll.u32 s28, $0x1;
	[dreg:$0x2] =	wrdreg s4  }
0x27: {  	[dreg:$0x3] =	wrdreg s5  }
0x28: {  	[dreg:$0x4] =	wrdreg $0xC0  }
0x29: {  	_ =	task [dreg:s8], $0x5FFFF  }
0x2a: {  	[dreg:$0x1] =	wrdreg $0xFFFFFFFF  }
0x2b: {  	[dreg:$0x0] =	wrdreg $0x60  }
0x2c: {  	[dreg:$0x2] =	wrdreg s19  }
0x2d: {  	[dreg:$0x3] =	wrdreg s18  }
0x2e: {  	[dreg:$0x4] =	wrdreg $0x9  }
0x2f: {  	_ =	task.clear_ibuf [dreg:s8], $0x5FFFF;
	_ =	strace $0x90000046  }
0x30: {  	s29 =	simm.s32 $0x9;
	_ =	strace $0x80000048  }
0x31: {  	_ =	swait.ge [sflag:s29], $0x1  }
0x32: {  	[sflag:s29] =	ssyncadd.s32 $0xFFFFFFFF  }
0x33: {  	_ =	strace $0x90000048  }
0x34: {  	_ =	sfence  }
0x35: {  	s30 =	sld [smem:$0x0];
	_ =	sdelay $0x2  }
0x36: {  	s31 =	sshll.u32 s1, $0xD;
	s1 =	sshrl.u32 s1, $0x2  }
0x37: {  	s3 =	sand.u32 $0x4000, s31;
	s1 =	sadd.s32 s1, s30  }
0x38: {  	s0 =	sor.u32 s3, s0;
	s1 =	sshll.u32 s1, $0x11  }
0x39: {  	s0 =	sor.u32 s1, s0  }
0x3a: {  	s0 =	sadd.s32 $0x8F2B, s0  }
0x3b: {  	[sflag:s0] =	ssyncadd.remote.s32 $0x1  }
0x3c: {  	_ =	sfence.sel $0xFFFF  }
0x3d: {  	[dreg:$0x0] =	wrdreg $0xFFFFFFFF;
	(pc) =	sbr.abs _section_cstart, $3  }
0x3e: {  	[dreg:$0x1] =	wrdreg $0xFFFFFFFF  }
0x3f: {  	_ =	task.clear_ibuf [dreg:s8], $0x2FFFF;
	_ =	strace $0x9FFFFFFF  }
0x40: {  	(tm) =	ssettm $0x7FFFFFFF  }
0x41: {  	_ =	shalt  }
tec
execute0_lowered:
.L_overlay_start_1:
0x0: {  	(tag) =	ssettag $0x1  }
0x1: {  	s6 =	rddreg [dreg:$0x0];
	s1 =	stileid.u32  }
0x2: {  	s0 =	srdreg.scid;
	_ =	strace $0x80000047;
	s2 =	simm.s32 $0x1  }
0x3: {  	s31 =	simm.s32 $0x2;
	s19 =	simm.s32 $0x0;
	s20 =	simm.s32 $0x0  }
0x4: {  	s21 =	simm.s32 $0x0;
	s12 =	simm.s32 $0x0;
	s13 =	simm.s32 $0x0  }
0x5: {  	s15 =	simm.s32 $0x0;
	s18 =	simm.s32 $0x0;
	s7 =	sand.u32 $0x1, s0  }
0x6: {  	s8 =	sand.u32 $0x7, s1;
	s29 =	sshll.u32 s1, $0x4;
	[sflag:s2] =	ssyncpa.u1 $0x0  }
.Ltmp0:
0x7: {  	s30 =	ssub.s32 $0x60, s7;
	[dreg:$0x3] =	wrdreg s7;
	(pc) =	sbr.rel .LBB1_1-.Ltmp0, $4  }
0x8: {  	s9 =	sand.u32 $0x80, s29;
	[dreg:$0x4] =	wrdreg s8;
	s3 =	sshrl.u32 s30, $0x1  }
0x9: {  	[sflag:s31] =	ssyncpa.u1 $0x0;
	[dreg:$0x5] =	wrdreg s9;
	s10 =	ssub.s32 s30, s3  }
0xa: {  	s14 =	smov.u32 s7;
	s11 =	sadd.s32 $0x1, s10;
	[dreg:$0x6] =	wrdreg s10  }
0xb: {  	s16 =	smov.u32 s8;
	s17 =	smov.u32 s9;
	[dreg:$0x7] =	wrdreg s11  }
.LBB1_9:
0xc: {  	s13 =	rddreg [dreg:$0x9]  }
0xd: {  	s12 =	rddreg [dreg:$0x8]  }
0xe: {  	s3 =	rddreg [dreg:$0x13]  }
0xf: {  	s22 =	rddreg [dreg:$0x11]  }
0x10: {  	s24 =	rddreg [dreg:$0x12]  }
0x11: {  	s15 =	rddreg [dreg:$0xb]  }
0x12: {  	s26 =	rddreg [dreg:$0x1]  }
0x13: {  	s29 =	rddreg [dreg:$0x14]  }
0x14: {  	s6 =	rddreg [dreg:$0x0]  }
0x15: {  	s7 =	rddreg [dreg:$0x3]  }
0x16: {  	s8 =	rddreg [dreg:$0x4]  }
0x17: {  	s9 =	rddreg [dreg:$0x5]  }
0x18: {  	s10 =	rddreg [dreg:$0x6]  }
0x19: {  	s11 =	rddreg [dreg:$0x7]  }
0x1a: {  	s31 =	simm.s32 $0x6000;
	s14 =	rddreg [dreg:$0xa]  }
0x1b: {  	s17 =	rddreg [dreg:$0xc];
	p0 =	sgt.s32 s13, $0x80;
	s0 =	smov.u32 s13  }
0x1c: {  	s1 =	sshll.u32 s12, $0x8;
	s2 =	sshll.u32 s13, $0x3;
	s21 =	sshll.u32 s12, $0x7  }
0x1d: {  	s0 =	simm.s32 @!p0 $0x80;
	s1 =	sand.u32 $0xFFFFF800, s1;
	s2 =	sand.u32 $0xFFFFFC00, s2  }
0x1e: {  	s4 =	sand.u32 $0x300, s21;
	s0 =	sadd.s32 s3, s0;
	s1 =	sadd.s32 s2, s1  }
0x1f: {  	s5 =	smul.u32 $0x54000, s15;
	s3 =	sadd.s32 $0xFFFFFF80, s0;
	s1 =	sor.u32 s4, s1  }
0x20: {  	s0 =	ssub.s32 $0x100, s0;
	p0 =	sgt.s32 s3, $0x7F;
	s1 =	sshrl.u32 s1, $0x8  }
0x21: {  	s18 =	rddreg [dreg:$0xd];
	s0 =	simm.s32 @p0 $0x0;
	s23 =	smulhi.u32 $0x2AAAAAB, s1  }
0x22: {  	s19 =	rddreg [dreg:$0xe];
	s25 =	sand.u32 $0x78, s13;
	s0 =	smul.u32 s0, s22  }
0x23: {  	s27 =	sand.u32 $0x7, s13;
	s2 =	sand.u32 $0x80, s21;
	s3 =	smul.u32 $0x60, s23  }
0x24: {  	s28 =	sshll.u32 s27, $0x12;
	s2 =	sor.u32 s25, s2;
	s0 =	smul.u32 s24, s0  }
0x25: {  	s20 =	rddreg [dreg:$0xf];
	s30 =	sor.u32 $0x80, s28;
	s2 =	sshrl.u32 s2, $0x3  }
0x26: {  	s1 =	ssub.s32 s1, s3;
	s3 =	sadd.s32 s26, s5;
	s0 =	smul.u32 $0x70, s0  }
0x27: {  	s21 =	rddreg [dreg:$0x10];
	s1 =	sshll.u32 s1, $0x5;
	s2 =	sadd.s32 s2, s3  }
0x28: {  	s4 =	sor.u32 $0x8000, s29;
	s1 =	sadd.s32 s1, s2;
	s0 =	sand.u32 $0x3FFFFFF0, s0  }
0x29: {  	[hbm4b:s1+s30] =	stream.strided.scatter [tilespmem:s4], [sflag:$0x2], s0, s31, s30, $0x20;
	[tilespmem:$0x10100] =	vst v63  }
.LBB1_10:
0x2a: {  	p0 =	slt.u32 s18, $0x2  }
0x2b: {  	p1 =	sgt.s32 @!p0 s21, $0x7  }
0x2c: {  	s0 =	smov.u32 s21;
	s1 =	sshra.s32 @!p0 s21, $0x1F;
	p1 =	por !p1, p0  }
0x2d: {  	s1 =	sand.u32 @!p0 s1, s21;
	s0 =	simm.s32 @p1 $0x7  }
0x2e: {  	s3 =	smov.u32 s19;
	p2 =	sgt.s32 @!p0 s20, $0x80;
	s0 =	ssub.s32 @!p0 s0, s1  }
0x2f: {  	s2 =	sshra.s32 @!p0 s20, $0x1F;
	p2 =	por !p2, p0;
	s1 =	sadd.s32 @!p0 $0xFFFFFFF9, s0  }
0x30: {  	s0 =	ssub.s32 @!p0 $0x8, s0;
	p1 =	sgt.s32 @!p0 s1, $0x0;
	s1 =	smov.u32 s20  }
0x31: {  	s0 =	smul.u32 @!p0 $0x70, s0;
	s1 =	simm.s32 @p2 $0x80;
	p2 =	sgt.s32 @!p0 s19, $0x5F  }
0x32: {  	s2 =	sand.u32 @!p0 s2, s20;
	p1 =	por !p1, p0;
	p2 =	por !p2, p0  }
0x33: {  	s1 =	ssub.s32 @!p0 s1, s2;
	s2 =	sshra.s32 @!p0 s19, $0x1F;
	s0 =	simm.s32 @!p1 $0x0  }
0x34: {  	s3 =	simm.s32 @p2 $0x5F;
	s2 =	sand.u32 @!p0 s2, s19;
	s4 =	sadd.s32 @!p0 $0xFFFFFF80, s1  }
0x35: {  	s1 =	ssub.s32 @!p0 $0x100, s1;
	s2 =	ssub.s32 @!p0 s3, s2;
	p1 =	sgt.s32 @!p0 s4, $0x7F  }
0x36: {  	s4 =	smov.u32 s17;
	s3 =	sadd.s32 @!p0 $0xFFFFFFA1, s2;
	p1 =	por !p1, p0  }
0x37: {  	s2 =	ssub.s32 @!p0 $0x60, s2;
	p2 =	sgt.s32 @!p0 s3, $0x0;
	s1 =	simm.s32 @!p1 $0x0  }
0x38: {  	p1 =	por !p2, p0;
	s0 =	smul.u32 @!p0 s0, s1;
	s1 =	sadd.s32 $0x2, s14  }
0x39: {  	s3 =	sadd.s32 $0x100, s17;
	s2 =	simm.s32 @!p1 $0x0;
	p1 =	sgt.s32 s1, $0x5F  }
0x3a: {  	s0 =	smul.u32 @!p0 s2, s0;
	s4 =	smov.u32 @p1 s3  }
0x3b: {  	s2 =	sadd.s32 $0x8, s16;
	s3 =	smov.u32 s16;
	p2 =	sgt.s32 s4, $0xDF  }
0x3c: {  	s21 =	smov.u32 s15;
	s3 =	smov.u32 @p2 s2  }
0x3d: {  	s15 =	smov.u32 s16;
	s1 =	smov.u32 @p1 s7;
	p1 =	sgt.s32 s3, $0x7  }
0x3e: {  	s20 =	smov.u32 s13;
	s3 =	smov.u32 @p1 s8;
	p1 =	sne.s32 s18, s11  }
.Ltmp1:
0x3f: {  	s13 =	smov.u32 s17;
	s19 =	smov.u32 s12;
	(pc) =	sbr.rel @!p1 .LBB1_11-.Ltmp1, $4  }
0x40: {  	s12 =	smov.u32 s14;
	s0 =	sand.u32 @!p0 $0x3FFFFFF0, s0;
	s2 =	simm.s32 @!p0 $0x2  }
0x41: {  	s14 =	smov.u32 s1;
	s4 =	smov.u32 @p2 s9;
	_ =	swait.ge @!p0 [sflag:s2], s0  }
0x42: {  	s0 =	ssub.s32 @!p0 $0x0, s0;
	s17 =	smov.u32 s4;
	[sflag:s2] =	ssyncset.done @!p0 $0x0  }
0x43: {  	s18 =	sadd.s32 $0x1, s18;
	[sflag:s2] =	ssyncadd.s32 @!p0 s0;
	s16 =	smov.u32 s3  }
.LBB1_1:
0x44: {  	p0 =	sge.u32 s18, s10  }
0x45: {  	s1 =	smov.u32 s16;
	s4 =	smov.u32 s17;
	p1 =	sgt.s32 @!p0 s16, $0x7  }
0x46: {  	s0 =	sand.u32 @!p0 $0x1FFFFFF, s14;
	s3 =	sshra.s32 @!p0 s16, $0x1F;
	p1 =	por !p1, p0  }
0x47: {  	s5 =	sshra.s32 @!p0 s17, $0x1F;
	s1 =	simm.s32 @p1 $0x7;
	p1 =	sgt.s32 @!p0 s17, $0x60  }
0x48: {  	s2 =	smulhi.u32 @!p0 $0x2AAAAAB, s0;
	s3 =	sand.u32 @!p0 s3, s16;
	p1 =	por !p1, p0  }
0x49: {  	s5 =	sand.u32 @!p0 s5, s17;
	s1 =	ssub.s32 @!p0 s1, s3;
	s4 =	simm.s32 @p1 $0x60  }
0x4a: {  	p1 =	sgt.s32 @!p0 s14, $0x5F;
	s1 =	sadd.s32 @!p0 $0xFFFFFFF9, s1;
	s3 =	ssub.s32 @!p0 s4, s5  }
0x4b: {  	p1 =	por !p1, p0;
	s5 =	smov.u32 s14;
	s4 =	sadd.s32 @!p0 $0xFFFFFFA0, s3  }
0x4c: {  	s5 =	simm.s32 @p1 $0x5F;
	p2 =	sgt.s32 @!p0 s4, $0x7F;
	s4 =	sshra.s32 @!p0 s14, $0x1F  }
0x4d: {  	p1 =	sgt.s32 @!p0 s1, $0x0;
	s1 =	sshll.u32 @!p0 s1, $0x7;
	s4 =	sand.u32 @!p0 s4, s14  }
0x4e: {  	s3 =	ssub.s32 @!p0 $0xE0, s3;
	s1 =	ssub.s32 @!p0 $0x80, s1;
	s4 =	ssub.s32 @!p0 s5, s4  }
0x4f: {  	p1 =	por !p1, p0;
	p2 =	por !p2, p0;
	s5 =	sadd.s32 @!p0 $0xFFFFFFA1, s4  }
0x50: {  	s1 =	simm.s32 @!p1 $0x0;
	s3 =	simm.s32 @!p2 $0x0;
	p2 =	sgt.s32 @!p0 s5, $0x0  }
0x51: {  	s4 =	ssub.s32 @!p0 $0x60, s4;
	s1 =	smul.u32 @!p0 s3, s1;
	p1 =	por !p2, p0  }
0x52: {  	s2 =	smul.u32 @!p0 $0x60, s2;
	s4 =	simm.s32 @!p1 $0x0  }
0x53: {  	s1 =	smul.u32 @!p0 s4, s1  }
0x54: {  	s31 =	sadd.s32 $0xFFFFFFFF, s18;
	s4 =	smul.u32 @!p0 $0x54000, s16  }
0x55: {  	s0 =	ssub.s32 @!p0 s0, s2;
	s3 =	sxor.u32 @!p0 $0xFFFFFFFF, s18;
	s5 =	smul.u32 @!p0 $0x600, s17  }
0x56: {  	s0 =	sshll.u32 @!p0 s0, $0x4;
	s3 =	sshll.u32 @!p0 s3, $0xE;
	s2 =	sadd.s32 @!p0 s6, s4  }
0x57: {  	s3 =	sand.u32 @!p0 $0x4000, s3;
	s1 =	sand.u32 @!p0 $0x3FFFFF80, s1;
	s2 =	sadd.s32 @!p0 s5, s2  }
0x58: {  	s4 =	simm.s32 @!p0 $0x3000;
	s0 =	sadd.s32 @!p0 s0, s2;
	s2 =	simm.s32 @!p0 $0x80  }
0x59: {  	[tilespmem:s3], [sflag:$0x1] =	stream.strided.gather @!p0 [hbm4b:s0+s2], s1, s4, s2, $0x38;
	[tilespmem:$0x10100] =	vst v63  }
0x5a: {  	p0 =	sge.u32 s31, s10  }
.Ltmp2:
0x5b: {  	_ = 	snop;
	(pc) =	sbr.rel @p0 .LBB1_10-.Ltmp2, $1  }
0x5c: {  	_ =	sdelay $0x3  }
0x5d: {  	[dreg:$0x10] =	wrdreg s21  }
0x5e: {  	[dreg:$0xf] =	wrdreg s20  }
0x5f: {  	[dreg:$0xe] =	wrdreg s19  }
0x60: {  	[dreg:$0xc] =	wrdreg s17  }
0x61: {  	[dreg:$0xa] =	wrdreg s14;
	p0 =	sgt.s32 s15, $0x7  }
0x62: {  	s0 =	smov.u32 s15;
	s1 =	sshra.s32 s15, $0x1F;
	s22 =	ssub.s32 $0x0, s13  }
0x63: {  	s2 =	sshra.s32 s13, $0x1F;
	p1 =	sgt.s32 s12, $0x5F;
	s3 =	smov.u32 s12  }
0x64: {  	s4 =	sshra.s32 s12, $0x1F;
	p2 =	sgt.s32 s13, $0x60;
	s5 =	smov.u32 s13  }
0x65: {  	s0 =	simm.s32 @!p0 $0x7;
	s1 =	sand.u32 s1, s15;
	s3 =	simm.s32 @!p1 $0x5F  }
0x66: {  	s4 =	sand.u32 s4, s12;
	s2 =	sand.u32 s22, s2;
	s5 =	simm.s32 @!p2 $0x60  }
0x67: {  	s0 =	ssub.s32 s0, s1;
	s23 =	ssub.s32 s3, s4;
	[dreg:$0x13] =	wrdreg s2  }
0x68: {  	s24 =	sadd.s32 s2, s5;
	s2 =	sadd.s32 $0x1, s15;
	s1 =	sadd.s32 $0xFFFFFFF9, s0  }
0x69: {  	s4 =	ssub.s32 $0x8, s0;
	s25 =	sadd.s32 $0xFFFFFFA1, s23;
	s26 =	sadd.s32 $0xFFFFFFA0, s24  }
0x6a: {  	p0 =	sgt.s32 s1, $0x0;
	p1 =	sgt.s32 s25, $0x0;
	s1 =	ssub.s32 $0x60, s23  }
0x6b: {  	s0 =	ssub.s32 $0xE0, s24;
	s4 =	simm.s32 @p0 $0x0;
	s1 =	simm.s32 @p1 $0x0  }
0x6c: {  	p0 =	sgt.s32 s26, $0x7F;
	[dreg:$0x12] =	wrdreg s1;
	s1 =	smul.u32 s4, s1  }
0x6d: {  	s3 =	sadd.s32 $0x80, s13;
	s0 =	simm.s32 @p0 $0x0;
	p0 =	slt.s32 s2, $0x8  }
0x6e: {  	s2 =	simm.s32 @!p0 $0x8;
	p0 =	slt.s32 s3, $0xE0;
	s0 =	smul.u32 s0, s1  }
0x6f: {  	s25 =	ssub.s32 s2, s15;
	s3 =	simm.s32 @!p0 $0xE0;
	s1 =	sadd.s32 $0x1, s12  }
0x70: {  	s26 =	ssub.s32 s3, s13;
	p1 =	slt.s32 s1, $0x60;
	p0 =	slt.s32 s25, $0x1  }
0x71: {  	[dreg:$0xb] =	wrdreg s15;
	s1 =	simm.s32 @!p1 $0x60;
	p1 =	slt.s32 @!p0 s26, $0x1  }
0x72: {  	[dreg:$0x9] =	wrdreg s13;
	s27 =	ssub.s32 s1, s12;
	p1 =	por p0, p1  }
0x73: {  	[dreg:$0x8] =	wrdreg s12;
	p2 =	slt.s32 @!p1 s27, $0x1  }
0x74: {  	[dreg:$0xd] =	wrdreg s18;
	p1 =	por p1, p2  }
.Ltmp3:
0x75: {  	s29 =	simm.s32 $0x1;
	s0 =	sshll.u32 s0, $0x7;
	(pc) =	sbr.rel @p1 .LBB1_9-.Ltmp3, $4  }
0x76: {  	[dreg:$0x11] =	wrdreg s4;
	s28 =	sand.u32 $0x3FFFFF80, s0;
	s0 =	sand.u32 $0x1, s18  }
0x77: {  	_ =	swait.ge [sflag:s29], s28;
	s31 =	smul.u32 $0x4080, s0  }
0x78: {  	s30 =	ssub.s32 $0x0, s28;
	[sflag:s29] =	ssyncset.done $0x0  }
0x79: {  	[sflag:s29] =	ssyncadd.s32 s30;
	[dreg:$0x14] =	wrdreg s31  }
0x7a: {  	s28 =	sshll.u32 @!p0 s0, $0xE;
	s0 =	rddreg [dreg:$0x14]  }
0x7b: {  	s30 =	simm.s32 $0x0;
	s29 =	sor.u32 @!p0 $0x8000, s0  }
.LBB1_4:
0x7c: {  	s0 =	smul.u32 $0x10200, s30  }
0x7d: {  	s1 =	sshll.u32 s30, $0x10  }
0x7e: {  	s1 =	sshra.s32 s1, $0x2;
	s0 =	sshra.s32 s0, $0x2  }
0x7f: {  	s5 =	simm.s32 $0x0;
	s31 =	sadd.s32 s0, s29;
	s0 =	sadd.s32 s1, s28  }
0x80: {  	s1 =	sadd.s32 $0x810, s31;
	s3 =	sadd.s32 $0x1020, s31;
	s10 =	sadd.s32 $0x1830, s31  }
0x81: {  	s2 =	sadd.s32 $0x2040, s31;
	s6 =	sadd.s32 $0x2850, s31;
	s9 =	sadd.s32 $0x3060, s31  }
.LBB1_5:
0x82: {  	s4 =	sshll.u32 s5, $0x9  }
0x83: {  	s4 =	sshra.s32 s4, $0x2  }
0x84: {  	s4 =	sadd.s32 s4, s0  }
0x85: {  	v0 =	vmov s4;
	_ =	sdelay $0x2  }
0x86: {  	s23 =	simm.s32 $0x0  }
0x87: {  	s7 =	sand.u32 $0x380, s23  }
0x88: {  	p0 =	sne.s32 s27, $0x1;
	v1 =	vld.idx.msk [tilespmem:v0+s7+$0x60 ss:$0x1], $0xffff  }
.Ltmp4:
0x89: {  	s11 =	sand.u32 $0x7F, s5;
	s19 =	simm.s32 $0x1;
	v2 =	vld.idx.msk [tilespmem:v0+s7+$0x0 ss:$0x1], $0xffff;
	(pc) =	sbr.rel @!p0 .LBB1_7-.Ltmp4, $4  }
0x8a: {  	s20 =	simm.s32 $0x80;
	s22 =	sadd.s32 s11, s31;
	s12 =	sand.u32 $0x7, s23;
	v3 =	vld.idx.msk [tilespmem:v0+s7+$0x10 ss:$0x1], $0xffff  }
0x8b: {  	s21 =	sadd.s32 s11, s1;
	s24 =	sadd.s32 s11, s3;
	s18 =	smul.u32 $0x81, s12;
	v4 =	vld.idx.msk [tilespmem:v0+s7+$0x20 ss:$0x1], $0xffff  }
0x8c: {  	s8 =	sadd.s32 s11, s10;
	s23 =	sadd.s32 s11, s2;
	s14 =	sadd.s32 s11, s9;
	v5 =	vld.idx.msk [tilespmem:v0+s7+$0x30 ss:$0x1], $0xffff  }
0x8d: {  	s4 =	sadd.s32 s11, s6;
	s11 =	sadd.s32 s18, s22;
	s12 =	sadd.s32 s18, s14;
	v6 =	vld.idx.msk [tilespmem:v0+s7+$0x40 ss:$0x1], $0xffff  }
.LBB1_6:
0x8e: {  	s17 =	sadd.s32 s18, s21  }
0x8f: {  	v7 =	vld.idx.msk [tilespmem:v0+s7+$0x50 ss:$0x1], $0xffff;
	s7 =	sand.u32 $0x380, s20;
	[tilespmem:s12+$0x0 ss:$0x81] =	vst.msk $0xffff, v1;
	s12 =	smov.u32 s19;
	s19 =	sadd.s32 $0x1, s19  }
0x90: {  	s13 =	sadd.s32 s18, s8;
	v1 =	vld.idx.msk [tilespmem:v0+s7+$0x60 ss:$0x1], $0xffff;
	p0 =	sne.s32 s27, s19;
	[tilespmem:s11+$0x0 ss:$0x81] =	vst.msk $0xffff, v2;
	s11 =	sadd.s32 s18, s24  }
.Ltmp5:
0x91: {  	s15 =	sadd.s32 s18, s4;
	v2 =	vld.idx.msk [tilespmem:v0+s7+$0x0 ss:$0x1], $0xffff;
	[tilespmem:s17+$0x0 ss:$0x81] =	vst.msk $0xffff, v3;
	s17 =	sadd.s32 s18, s23;
	(pc) =	sbr.rel @p0 .LBB1_6-.Ltmp5, $4  }
0x92: {  	s12 =	sand.u32 $0x7, s12;
	v3 =	vld.idx.msk [tilespmem:v0+s7+$0x10 ss:$0x1], $0xffff;
	[tilespmem:s11+$0x0 ss:$0x81] =	vst.msk $0xffff, v4  }
0x93: {  	s18 =	smul.u32 $0x81, s12;
	v4 =	vld.idx.msk [tilespmem:v0+s7+$0x20 ss:$0x1], $0xffff;
	[tilespmem:s13+$0x0 ss:$0x81] =	vst.msk $0xffff, v5  }
0x94: {  	v5 =	vld.idx.msk [tilespmem:v0+s7+$0x30 ss:$0x1], $0xffff;
	[tilespmem:s17+$0x0 ss:$0x81] =	vst.msk $0xffff, v6  }
0x95: {  	s20 =	sadd.s32 $0x80, s20;
	s11 =	sadd.s32 s18, s22;
	s12 =	sadd.s32 s18, s14;
	v6 =	vld.idx.msk [tilespmem:v0+s7+$0x40 ss:$0x1], $0xffff;
	[tilespmem:s15+$0x0 ss:$0x81] =	vst.msk $0xffff, v7  }
.LBB1_7:
0x96: {  	_ =	sdelay $0x2  }
0x97: {  	[tilespmem:s12+$0x0 ss:$0x81] =	vst.msk $0xffff, v1;
	s5 =	sadd.s32 $0x1, s5  }
0x98: {  	s21 =	sadd.s32 s18, s21;
	v0 =	vld.idx.msk [tilespmem:v0+s7+$0x50 ss:$0x1], $0xffff;
	[tilespmem:s11+$0x0 ss:$0x81] =	vst.msk $0xffff, v2;
	p0 =	sne.s32 s5, s26  }
.Ltmp6:
0x99: {  	s22 =	sadd.s32 s18, s24;
	[tilespmem:s21+$0x0 ss:$0x81] =	vst.msk $0xffff, v3;
	(pc) =	sbr.rel @p0 .LBB1_5-.Ltmp6, $4  }
0x9a: {  	s8 =	sadd.s32 s18, s8;
	[tilespmem:s22+$0x0 ss:$0x81] =	vst.msk $0xffff, v4  }
0x9b: {  	s24 =	sadd.s32 s18, s23;
	[tilespmem:s8+$0x0 ss:$0x81] =	vst.msk $0xffff, v5  }
0x9c: {  	s4 =	sadd.s32 s18, s4;
	[tilespmem:s24+$0x0 ss:$0x81] =	vst.msk $0xffff, v6  }
0x9d: {  	[tilespmem:s4+$0x0 ss:$0x81] =	vst.msk $0xffff, v0  }
0x9e: {  	s30 =	sadd.s32 $0x1, s30  }
0x9f: {  	p0 =	sne.s32 s30, s25  }
.Ltmp7:
0xa0: {  	_ = 	snop;
	(pc) =	sbr.rel @p0 .LBB1_4-.Ltmp7, $4  }
.Ltmp8:
0xa1: {  	_ = 	snop;
	(pc) =	sbr.rel @!p0 .LBB1_9-.Ltmp8, $4  }
0xa2: {  	_ = 	snop  }
0xa3: {  	_ = 	snop  }
0xa4: {  	_ = 	snop  }
0xa5: {  	_ = 	snop  }
.LBB1_11:
0xa6: {  	_ =	sfence.sel $0x180000  }
0xa7: {  	s0 =	simm.s32 $0x1;
	[bflag:$0x0] =	sbarrier.arrive $0xFFFF  }
0xa8: {  	s30 =	simm.s32 $0x2;
	[sflag:s0] =	ssyncpa.u1 $0x1  }
0xa9: {  	[sflag:s30] =	ssyncpa.u1 $0x1  }
0xaa: {  	_ =	strace $0x90000047  }
0xab: {  	s31 =	stileid.u32;
	[bflag:$0x2] =	sbarrier.arrive $0xFFFF  }
0xac: {  	p0 =	sne.s32 s31, $0x0;
	s0 =	rddreg [dreg:$0x2]  }
0xad: {  	s0 =	sadd.s32 @!p0 $0x100000, s0  }
0xae: {  	[sflag:s0] =	ssyncadd.tile.s32 @!p0 $0x1;
	_ =	shalt  }
.Lfunc_end1:
_tile_overlayer_lowered:
.L_overlay_start_2:
0xaf: {  	(tag) =	ssettag $0x2  }
0xb0: {  	s0 =	rddreg [dreg:$0x0];
	s2 =	stileid.u32  }
0xb1: {  	s1 =	rddreg [dreg:$0x1];
	p0 =	sne.s32 s2, $0x0  }
0xb2: {  	s3 =	rddreg [dreg:$0x2];
	[bflag:$0x3] =	sbarrier.arrive $0xFFFF;
	s2 =	simm.s32 @!p0 $0x1C01  }
0xb3: {  	[timem:s3], [sflag:s2] =	dma.local @!p0 [hbm:s0], s1  }
0xb4: {  	s0 =	simm.s32 @!p0 $0x1  }
0xb5: {  	_ =	swait.ge @!p0 [sflag:s0], s1  }
0xb6: {  	s1 =	ssub.s32 @!p0 $0x0, s1;
	[sflag:s0] =	ssyncset.done @!p0 $0x0  }
0xb7: {  	[sflag:s0] =	ssyncadd.s32 @!p0 s1  }
0xb8: {  	[bflag:$0x3] =	sbarrier.arrive $0xFFFF  }
0xb9: {  	_ =	shalt  }

</sc_bundles>
